<compile_context>
chip_gen: v7x
topology: tpu7x:2x2x1
jax: 0.10.2.dev20260603
libtpu: 0.0.44.dev20260713+nightly
codegen_flags: <defaults>
</compile_context>

<pallas_src>
import functools

import jax
import jax.numpy as jnp
from jax import lax
from jax.experimental import pallas as pl
from jax.experimental.pallas import tpu as pltpu
from jax.experimental.pallas import tpu_sc as plsc

D = 64
NC, NS = 2, 16
NW = NC * NS
IW = 100
CH_IR = 4
CH = CH_IR * IW


def _pos_enc(seq_len, d_model):
    pos = jnp.arange(seq_len, dtype=jnp.float32)[:, None]
    i = jnp.arange(d_model // 2, dtype=jnp.float32)[None, :]
    div = jnp.exp(-(jnp.log(10000.0)) * (2.0 * i) / d_model)
    angles = pos * div
    pe = jnp.zeros((seq_len, d_model), dtype=jnp.float32)
    pe = pe.at[:, 0::2].set(jnp.sin(angles))
    pe = pe.at[:, 1::2].set(jnp.cos(angles))
    return pe


@functools.cache
def _make_kernel(n_rows_total):
    rows_per_w = n_rows_total // NW
    ir_per_w = rows_per_w // IW
    n_chunks = ir_per_w // CH_IR
    mesh = plsc.VectorSubcoreMesh(core_axis_name="c", subcore_axis_name="s",
                                  num_cores=NC, num_subcores=NS)

    @functools.partial(
        pl.kernel,
        out_type=jax.ShapeDtypeStruct((n_rows_total, D), jnp.float32),
        mesh=mesh,
        scratch_types=[
            pltpu.VMEM((2, CH_IR, IW), jnp.int32),
            pltpu.VMEM((2, CH, D), jnp.float32),
            pltpu.VMEM((CH, D), jnp.float32),
            pltpu.SemaphoreType.DMA,
            pltpu.SemaphoreType.DMA,
            pltpu.SemaphoreType.DMA,
            pltpu.SemaphoreType.DMA,
        ],
        compiler_params=pltpu.CompilerParams(use_tc_tiling_on_sc=False),
    )
    def k(idx_hbm, table_hbm, pe_hbm, out_hbm, idx_v, rows_v, pe_v,
          gsem0, gsem1, osem0, osem1):
        gsem = (gsem0, gsem1)
        osem = (osem0, osem1)
        wid = lax.axis_index("s") * NC + lax.axis_index("c")
        ir_base = wid * ir_per_w
        row_base = wid * rows_per_w
        pltpu.sync_copy(pe_hbm, pe_v)

        def fire_gather(cc, b):
            pltpu.sync_copy(idx_hbm.at[pl.ds(ir_base + cc * CH_IR, CH_IR)],
                            idx_v.at[b])
            for j in range(CH_IR):
                pltpu.async_copy(table_hbm.at[idx_v.at[b, j]],
                                 rows_v.at[b, pl.ds(j * IW, IW)], gsem[b])

        def drain_gather(b):
            pltpu.make_async_copy(pe_hbm, rows_v.at[b], gsem[b]).wait()

        def drain_out(b):
            pltpu.make_async_copy(rows_v.at[b],
                                  out_hbm.at[pl.ds(row_base, CH)],
                                  osem[b]).wait()

        fire_gather(0, 0)

        @pl.loop(0, n_chunks, step=2)
        def _two(c):
            for b in (0, 1):
                cc = c + b
                ob = 1 - b
                drain_gather(b)

                @pl.when(cc + 1 < n_chunks)
                def _prefetch():
                    @pl.when(cc >= 1)
                    def _free_buf():
                        drain_out(ob)
                    fire_gather(cc + 1, ob)

                @plsc.parallel_loop(0, CH, unroll=8)
                def _row(r):
                    for kk in range(D // 16):
                        sl = pl.ds(kk * 16, 16)
                        rows_v[b, r, sl] = rows_v[b, r, sl] + pe_v[r, sl]

                pltpu.async_copy(rows_v.at[b],
                                 out_hbm.at[pl.ds(row_base + cc * CH, CH)],
                                 osem[b])

        drain_out(0)
        drain_out(1)

    return k


def kernel(x, table):
    B, M = x.shape
    n = B * M
    idx = x.reshape(n // IW, IW).astype(jnp.int32)
    pe = _pos_enc(M, D)
    pe_t = jnp.tile(pe, (CH // M, 1))
    out = _make_kernel(n)(idx, table, pe_t)
    return out.reshape(B, M, D)

# --- scband reference (transcript-rebuilt; emitter-appended) ---
"""Pipeline reference for scband-positional-embedding-71708773974971 (READ-ONLY COPY).

The authoritative reference and input builder live on the scoring server;
editing this copy changes nothing except your own understanding.
"""

import jax, jax.numpy as jnp
import numpy as np

VOCAB = 1000000
D_MODEL = 64
B = 4096
M = 200


def _sinusoidal_pos_enc(seq_len, d_model):
    pos = jnp.arange(seq_len, dtype=jnp.float32)[:, None]
    i = jnp.arange(d_model // 2, dtype=jnp.float32)[None, :]
    div = jnp.exp(-(jnp.log(10000.0)) * (2.0 * i) / d_model)
    angles = pos * div
    pe = jnp.zeros((seq_len, d_model), dtype=jnp.float32)
    pe = pe.at[:, 0::2].set(jnp.sin(angles))
    pe = pe.at[:, 1::2].set(jnp.cos(angles))
    return pe


def setup_inputs(seed: int = 0) -> dict:
    key = jax.random.key(seed)
    k1, k2 = jax.random.split(key)
    x = jax.random.randint(k1, (B, M), 0, VOCAB, dtype=jnp.int64)
    # embedding table, nn.Embedding default init ~ N(0, 1)
    table = jax.random.normal(k2, (VOCAB, D_MODEL), dtype=jnp.float32)
    return {"x": x, "table": table}


def reference(x, table):
    # out = Embedding(x) + positional_encoding
    out = jnp.take(table, x, axis=0)  # [B, M, d]
    pe = _sinusoidal_pos_enc(out.shape[1], out.shape[2])  # [M, d]
    out = out + pe[None, :, :]
    return out

if __name__ == "__main__":
    import jax
    _d = setup_inputs()
    print(jax.jit(kernel)(*tuple(_d.values())))

</pallas_src>

<mosaic_0001>
#map = affine_map<(d0, d1) -> (0, 0)>
module attributes {stable_mosaic.version = 14 : i64} {
  func.func @k(%arg0: i32, %arg1: i32, %arg2: memref<8192x100xi32, #tpu.memory_space<hbm>>, %arg3: memref<1000000x64xf32, #tpu.memory_space<hbm>>, %arg4: memref<400x64xf32, #tpu.memory_space<hbm>>, %arg5: memref<819200x64xf32, #tpu.memory_space<hbm>>, %arg6: memref<2x4x100xi32, #tpu.memory_space<vmem>>, %arg7: memref<2x400x64xf32, #tpu.memory_space<vmem>>, %arg8: memref<400x64xf32, #tpu.memory_space<vmem>>, %arg9: memref<!tpu.dma_semaphore, #tpu.memory_space<semaphore_mem>>, %arg10: memref<!tpu.dma_semaphore, #tpu.memory_space<semaphore_mem>>, %arg11: memref<!tpu.dma_semaphore, #tpu.memory_space<semaphore_mem>>, %arg12: memref<!tpu.dma_semaphore, #tpu.memory_space<semaphore_mem>>) attributes {dimension_semantics = [#tpu.dimension_semantics<core_parallel>, #tpu.dimension_semantics<subcore_parallel>], iteration_bounds = array<i64: 2, 16>, scalar_prefetch = 0 : i64, scratch_operands = 7 : i64, tpu.core_type = #tpu.core_type<sc_vector_subcore>, window_params = [{transform_indices = #map}, {transform_indices = #map}, {transform_indices = #map}, {transform_indices = #map}]} {
    %mul3A = arith.constant 2 : i32
    %mul3A_0 = arith.muli %arg1, %mul3A : i32
    %add3A = arith.addi %mul3A_0, %arg0 : i32
    %mul3A_1 = arith.constant 256 : i32
    %mul3A_2 = arith.muli %add3A, %mul3A_1 : i32
    %mul3A_3 = arith.constant 25600 : i32
    %mul3A_4 = arith.muli %add3A, %mul3A_3 : i32
    "tpu.region"() ({
      %run_scoped3A_87 = tpu.sem_alloc : memref<!tpu.dma_semaphore, #tpu.memory_space<semaphore_mem>>
      tpu.enqueue_dma source(%arg4 : memref<400x64xf32, #tpu.memory_space<hbm>>) target(%arg8 : memref<400x64xf32, #tpu.memory_space<vmem>>) target_semaphore(%run_scoped3A_87 : memref<!tpu.dma_semaphore, #tpu.memory_space<semaphore_mem>>)
      tpu.wait_dma2 semaphore(%run_scoped3A_87 : memref<!tpu.dma_semaphore, #tpu.memory_space<semaphore_mem>>) src(%arg4 : memref<400x64xf32, #tpu.memory_space<hbm>>) dst(%arg8 : memref<400x64xf32, #tpu.memory_space<vmem>>)
      tpu.yield
    }) : () -> ()
    %add3A_5 = arith.constant 0 : i32
    %add3A_6 = arith.addi %mul3A_2, %add3A_5 : i32
    %run_scoped3A = arith.constant 0 : i32
    "tpu.region"() ({
      %run_scoped3A_87 = tpu.sem_alloc : memref<!tpu.dma_semaphore, #tpu.memory_space<semaphore_mem>>
      %dma_start3A_88 = arith.constant 0 : i32
      %dma_start3A_89 = arith.constant 0 : i32
      %dma_start3A_90 = tpu.memref_slice %arg6[%run_scoped3A, %dma_start3A_88, %dma_start3A_89] : memref<2x4x100xi32, #tpu.memory_space<vmem>> -> memref<1x4x100xi32, #tpu.memory_space<vmem>>
      %dma_start3A_91 = tpu.memref_squeeze %dma_start3A_90 : memref<1x4x100xi32, #tpu.memory_space<vmem>> -> memref<4x100xi32, #tpu.memory_space<vmem>>
      %dma_start3A_92 = arith.constant 0 : i32
      %dma_start3A_93 = tpu.memref_slice %arg2[%add3A_6, %dma_start3A_92] : memref<8192x100xi32, #tpu.memory_space<hbm>> -> memref<4x100xi32, #tpu.memory_space<hbm>>
      %dma_start3A_94 = arith.constant 0 : i32
      %dma_start3A_95 = arith.constant 0 : i32
      %dma_start3A_96 = tpu.memref_slice %arg6[%run_scoped3A, %dma_start3A_94, %dma_start3A_95] : memref<2x4x100xi32, #tpu.memory_space<vmem>> -> memref<1x4x100xi32, #tpu.memory_space<vmem>>
      %dma_start3A_97 = tpu.memref_squeeze %dma_start3A_96 : memref<1x4x100xi32, #tpu.memory_space<vmem>> -> memref<4x100xi32, #tpu.memory_space<vmem>>
      %dma_start3A_98 = arith.constant 0 : i32
      %dma_start3A_99 = tpu.memref_slice %arg2[%add3A_6, %dma_start3A_98] : memref<8192x100xi32, #tpu.memory_space<hbm>> -> memref<4x100xi32, #tpu.memory_space<hbm>>
      tpu.enqueue_dma source(%dma_start3A_99 : memref<4x100xi32, #tpu.memory_space<hbm>>) target(%dma_start3A_97 : memref<4x100xi32, #tpu.memory_space<vmem>>) target_semaphore(%run_scoped3A_87 : memref<!tpu.dma_semaphore, #tpu.memory_space<semaphore_mem>>)
      %dma_wait3A_100 = arith.constant 0 : i32
      %dma_wait3A_101 = arith.constant 0 : i32
      %dma_wait3A_102 = tpu.memref_slice %arg6[%run_scoped3A, %dma_wait3A_100, %dma_wait3A_101] : memref<2x4x100xi32, #tpu.memory_space<vmem>> -> memref<1x4x100xi32, #tpu.memory_space<vmem>>
      %dma_wait3A_103 = tpu.memref_squeeze %dma_wait3A_102 : memref<1x4x100xi32, #tpu.memory_space<vmem>> -> memref<4x100xi32, #tpu.memory_space<vmem>>
      %dma_wait3A_104 = arith.constant 0 : i32
      %dma_wait3A_105 = tpu.memref_slice %arg2[%add3A_6, %dma_wait3A_104] : memref<8192x100xi32, #tpu.memory_space<hbm>> -> memref<4x100xi32, #tpu.memory_space<hbm>>
      %dma_wait3A_106 = arith.constant 0 : i32
      %dma_wait3A_107 = arith.constant 0 : i32
      %dma_wait3A_108 = tpu.memref_slice %arg6[%run_scoped3A, %dma_wait3A_106, %dma_wait3A_107] : memref<2x4x100xi32, #tpu.memory_space<vmem>> -> memref<1x4x100xi32, #tpu.memory_space<vmem>>
      %dma_wait3A_109 = tpu.memref_squeeze %dma_wait3A_108 : memref<1x4x100xi32, #tpu.memory_space<vmem>> -> memref<4x100xi32, #tpu.memory_space<vmem>>
      %dma_wait3A_110 = arith.constant 0 : i32
      %dma_wait3A_111 = tpu.memref_slice %arg2[%add3A_6, %dma_wait3A_110] : memref<8192x100xi32, #tpu.memory_space<hbm>> -> memref<4x100xi32, #tpu.memory_space<hbm>>
      tpu.wait_dma2 semaphore(%run_scoped3A_87 : memref<!tpu.dma_semaphore, #tpu.memory_space<semaphore_mem>>) src(%dma_wait3A_111 : memref<4x100xi32, #tpu.memory_space<hbm>>) dst(%dma_wait3A_109 : memref<4x100xi32, #tpu.memory_space<vmem>>)
      tpu.yield
    }) : () -> ()
    %dma_start3A = arith.constant 0 : i32
    %dma_start3A_7 = arith.constant 0 : i32
    %dma_start3A_8 = arith.constant 0 : i32
    %dma_start3A_9 = arith.constant 0 : i32
    %dma_start3A_10 = arith.constant 0 : i32
    %dma_start3A_11 = tpu.memref_slice %arg7[%dma_start3A_8, %dma_start3A_9, %dma_start3A_10] : memref<2x400x64xf32, #tpu.memory_space<vmem>> -> memref<1x100x64xf32, #tpu.memory_space<vmem>>
    %dma_start3A_12 = tpu.memref_squeeze %dma_start3A_11 : memref<1x100x64xf32, #tpu.memory_space<vmem>> -> memref<100x64xf32, #tpu.memory_space<vmem>>
    %dma_start3A_13 = arith.constant 0 : i32
    %dma_start3A_14 = tpu.memref_slice %arg6[%dma_start3A, %dma_start3A_7, %dma_start3A_13] : memref<2x4x100xi32, #tpu.memory_space<vmem>> -> memref<1x1x100xi32, #tpu.memory_space<vmem>>
    %dma_start3A_15 = tpu.memref_squeeze %dma_start3A_14 : memref<1x1x100xi32, #tpu.memory_space<vmem>> -> memref<100xi32, #tpu.memory_space<vmem>>
    %dma_start3A_16 = arith.constant 0 : i32
    %dma_start3A_17 = arith.constant 0 : i32
    %dma_start3A_18 = tpu.memref_slice %arg3[%dma_start3A_16, %dma_start3A_17] : memref<1000000x64xf32, #tpu.memory_space<hbm>> -> memref<1000000x64xf32, #tpu.memory_space<hbm>>
    tpu.enqueue_indirect_dma source(%dma_start3A_18 : memref<1000000x64xf32, #tpu.memory_space<hbm>>) target(%dma_start3A_12 : memref<100x64xf32, #tpu.memory_space<vmem>>) offsets(%dma_start3A_15 : memref<100xi32, #tpu.memory_space<vmem>>) semaphore(%arg9 : memref<!tpu.dma_semaphore, #tpu.memory_space<semaphore_mem>>)
    %dma_start3A_19 = arith.constant 0 : i32
    %dma_start3A_20 = arith.constant 1 : i32
    %dma_start3A_21 = arith.constant 0 : i32
    %dma_start3A_22 = arith.constant 100 : i32
    %dma_start3A_23 = arith.constant 0 : i32
    %dma_start3A_24 = tpu.memref_slice %arg7[%dma_start3A_21, %dma_start3A_22, %dma_start3A_23] : memref<2x400x64xf32, #tpu.memory_space<vmem>> -> memref<1x100x64xf32, #tpu.memory_space<vmem>>
    %dma_start3A_25 = tpu.memref_squeeze %dma_start3A_24 : memref<1x100x64xf32, #tpu.memory_space<vmem>> -> memref<100x64xf32, #tpu.memory_space<vmem>>
    %dma_start3A_26 = arith.constant 0 : i32
    %dma_start3A_27 = tpu.memref_slice %arg6[%dma_start3A_19, %dma_start3A_20, %dma_start3A_26] : memref<2x4x100xi32, #tpu.memory_space<vmem>> -> memref<1x1x100xi32, #tpu.memory_space<vmem>>
    %dma_start3A_28 = tpu.memref_squeeze %dma_start3A_27 : memref<1x1x100xi32, #tpu.memory_space<vmem>> -> memref<100xi32, #tpu.memory_space<vmem>>
    %dma_start3A_29 = arith.constant 0 : i32
    %dma_start3A_30 = arith.constant 0 : i32
    %dma_start3A_31 = tpu.memref_slice %arg3[%dma_start3A_29, %dma_start3A_30] : memref<1000000x64xf32, #tpu.memory_space<hbm>> -> memref<1000000x64xf32, #tpu.memory_space<hbm>>
    tpu.enqueue_indirect_dma source(%dma_start3A_31 : memref<1000000x64xf32, #tpu.memory_space<hbm>>) target(%dma_start3A_25 : memref<100x64xf32, #tpu.memory_space<vmem>>) offsets(%dma_start3A_28 : memref<100xi32, #tpu.memory_space<vmem>>) semaphore(%arg9 : memref<!tpu.dma_semaphore, #tpu.memory_space<semaphore_mem>>)
    %dma_start3A_32 = arith.constant 0 : i32
    %dma_start3A_33 = arith.constant 2 : i32
    %dma_start3A_34 = arith.constant 0 : i32
    %dma_start3A_35 = arith.constant 200 : i32
    %dma_start3A_36 = arith.constant 0 : i32
    %dma_start3A_37 = tpu.memref_slice %arg7[%dma_start3A_34, %dma_start3A_35, %dma_start3A_36] : memref<2x400x64xf32, #tpu.memory_space<vmem>> -> memref<1x100x64xf32, #tpu.memory_space<vmem>>
    %dma_start3A_38 = tpu.memref_squeeze %dma_start3A_37 : memref<1x100x64xf32, #tpu.memory_space<vmem>> -> memref<100x64xf32, #tpu.memory_space<vmem>>
    %dma_start3A_39 = arith.constant 0 : i32
    %dma_start3A_40 = tpu.memref_slice %arg6[%dma_start3A_32, %dma_start3A_33, %dma_start3A_39] : memref<2x4x100xi32, #tpu.memory_space<vmem>> -> memref<1x1x100xi32, #tpu.memory_space<vmem>>
    %dma_start3A_41 = tpu.memref_squeeze %dma_start3A_40 : memref<1x1x100xi32, #tpu.memory_space<vmem>> -> memref<100xi32, #tpu.memory_space<vmem>>
    %dma_start3A_42 = arith.constant 0 : i32
    %dma_start3A_43 = arith.constant 0 : i32
    %dma_start3A_44 = tpu.memref_slice %arg3[%dma_start3A_42, %dma_start3A_43] : memref<1000000x64xf32, #tpu.memory_space<hbm>> -> memref<1000000x64xf32, #tpu.memory_space<hbm>>
    tpu.enqueue_indirect_dma source(%dma_start3A_44 : memref<1000000x64xf32, #tpu.memory_space<hbm>>) target(%dma_start3A_38 : memref<100x64xf32, #tpu.memory_space<vmem>>) offsets(%dma_start3A_41 : memref<100xi32, #tpu.memory_space<vmem>>) semaphore(%arg9 : memref<!tpu.dma_semaphore, #tpu.memory_space<semaphore_mem>>)
    %dma_start3A_45 = arith.constant 0 : i32
    %dma_start3A_46 = arith.constant 3 : i32
    %dma_start3A_47 = arith.constant 0 : i32
    %dma_start3A_48 = arith.constant 300 : i32
    %dma_start3A_49 = arith.constant 0 : i32
    %dma_start3A_50 = tpu.memref_slice %arg7[%dma_start3A_47, %dma_start3A_48, %dma_start3A_49] : memref<2x400x64xf32, #tpu.memory_space<vmem>> -> memref<1x100x64xf32, #tpu.memory_space<vmem>>
    %dma_start3A_51 = tpu.memref_squeeze %dma_start3A_50 : memref<1x100x64xf32, #tpu.memory_space<vmem>> -> memref<100x64xf32, #tpu.memory_space<vmem>>
    %dma_start3A_52 = arith.constant 0 : i32
    %dma_start3A_53 = tpu.memref_slice %arg6[%dma_start3A_45, %dma_start3A_46, %dma_start3A_52] : memref<2x4x100xi32, #tpu.memory_space<vmem>> -> memref<1x1x100xi32, #tpu.memory_space<vmem>>
    %dma_start3A_54 = tpu.memref_squeeze %dma_start3A_53 : memref<1x1x100xi32, #tpu.memory_space<vmem>> -> memref<100xi32, #tpu.memory_space<vmem>>
    %dma_start3A_55 = arith.constant 0 : i32
    %dma_start3A_56 = arith.constant 0 : i32
    %dma_start3A_57 = tpu.memref_slice %arg3[%dma_start3A_55, %dma_start3A_56] : memref<1000000x64xf32, #tpu.memory_space<hbm>> -> memref<1000000x64xf32, #tpu.memory_space<hbm>>
    tpu.enqueue_indirect_dma source(%dma_start3A_57 : memref<1000000x64xf32, #tpu.memory_space<hbm>>) target(%dma_start3A_51 : memref<100x64xf32, #tpu.memory_space<vmem>>) offsets(%dma_start3A_54 : memref<100xi32, #tpu.memory_space<vmem>>) semaphore(%arg9 : memref<!tpu.dma_semaphore, #tpu.memory_space<semaphore_mem>>)
    %scan3A = arith.constant 0 : i32
    %scan3A_58 = arith.constant 32 : i32
    %scan3A_59 = arith.addi %scan3A, %scan3A_58 : i32
    %scan3A_60 = arith.constant 1 : i32
    scf.for %scan3A_87 = %scan3A to %scan3A_59 step %scan3A_60  : i32 {
      %mul3A_88 = arith.constant 2 : i32
      %mul3A_89 = arith.muli %scan3A_87, %mul3A_88 : i32
      %add3A_90 = arith.constant 0 : i32
      %add3A_91 = arith.addi %add3A_90, %mul3A_89 : i32
      %add3A_92 = arith.constant 0 : i32
      %add3A_93 = arith.addi %add3A_91, %add3A_92 : i32
      %dma_wait3A_94 = arith.constant 0 : i32
      %dma_wait3A_95 = arith.constant 0 : i32
      %dma_wait3A_96 = arith.constant 0 : i32
      %dma_wait3A_97 = tpu.memref_slice %arg7[%dma_wait3A_94, %dma_wait3A_95, %dma_wait3A_96] : memref<2x400x64xf32, #tpu.memory_space<vmem>> -> memref<1x400x64xf32, #tpu.memory_space<vmem>>
      %dma_wait3A_98 = tpu.memref_squeeze %dma_wait3A_97 : memref<1x400x64xf32, #tpu.memory_space<vmem>> -> memref<400x64xf32, #tpu.memory_space<vmem>>
      %dma_wait3A_99 = arith.constant 0 : i32
      %dma_wait3A_100 = arith.constant 0 : i32
      %dma_wait3A_101 = tpu.memref_slice %arg7[%dma_wait3A_94, %dma_wait3A_99, %dma_wait3A_100] : memref<2x400x64xf32, #tpu.memory_space<vmem>> -> memref<1x400x64xf32, #tpu.memory_space<vmem>>
      %dma_wait3A_102 = tpu.memref_squeeze %dma_wait3A_101 : memref<1x400x64xf32, #tpu.memory_space<vmem>> -> memref<400x64xf32, #tpu.memory_space<vmem>>
      tpu.wait_dma2 semaphore(%arg9 : memref<!tpu.dma_semaphore, #tpu.memory_space<semaphore_mem>>) src(%arg4 : memref<400x64xf32, #tpu.memory_space<hbm>>) dst(%dma_wait3A_102 : memref<400x64xf32, #tpu.memory_space<vmem>>)
      %add3A_103 = arith.constant 1 : i32
      %add3A_104 = arith.addi %add3A_93, %add3A_103 : i32
      %lt3A = arith.constant 64 : i32
      %lt3A_105 = arith.cmpi slt, %add3A_104, %lt3A : i32
      %convert_element_type3A = arith.extui %lt3A_105 : i1 to i32
      %cond3A = arith.constant 0 : i32
      %cond3A_106 = arith.cmpi ne, %convert_element_type3A, %cond3A : i32
      scf.if %cond3A_106 {
        %ge3A = arith.constant 1 : i32
        %ge3A_162 = arith.cmpi sge, %add3A_93, %ge3A : i32
        %convert_element_type3A_163 = arith.extui %ge3A_162 : i1 to i32
        %cond3A_164 = arith.constant 0 : i32
        %cond3A_165 = arith.cmpi ne, %convert_element_type3A_163, %cond3A_164 : i32
        scf.if %cond3A_165 {
          %dma_wait3A_224 = arith.constant 1 : i32
          %dma_wait3A_225 = arith.constant 0 : i32
          %dma_wait3A_226 = arith.constant 0 : i32
          %dma_wait3A_227 = tpu.memref_slice %arg7[%dma_wait3A_224, %dma_wait3A_225, %dma_wait3A_226] : memref<2x400x64xf32, #tpu.memory_space<vmem>> -> memref<1x400x64xf32, #tpu.memory_space<vmem>>
          %dma_wait3A_228 = tpu.memref_squeeze %dma_wait3A_227 : memref<1x400x64xf32, #tpu.memory_space<vmem>> -> memref<400x64xf32, #tpu.memory_space<vmem>>
          %dma_wait3A_229 = arith.constant 0 : i32
          %dma_wait3A_230 = tpu.memref_slice %arg5[%mul3A_4, %dma_wait3A_229] : memref<819200x64xf32, #tpu.memory_space<hbm>> -> memref<400x64xf32, #tpu.memory_space<hbm>>
          %dma_wait3A_231 = arith.constant 0 : i32
          %dma_wait3A_232 = tpu.memref_slice %arg5[%mul3A_4, %dma_wait3A_231] : memref<819200x64xf32, #tpu.memory_space<hbm>> -> memref<400x64xf32, #tpu.memory_space<hbm>>
          %dma_wait3A_233 = arith.constant 0 : i32
          %dma_wait3A_234 = arith.constant 0 : i32
          %dma_wait3A_235 = tpu.memref_slice %arg7[%dma_wait3A_224, %dma_wait3A_233, %dma_wait3A_234] : memref<2x400x64xf32, #tpu.memory_space<vmem>> -> memref<1x400x64xf32, #tpu.memory_space<vmem>>
          %dma_wait3A_236 = tpu.memref_squeeze %dma_wait3A_235 : memref<1x400x64xf32, #tpu.memory_space<vmem>> -> memref<400x64xf32, #tpu.memory_space<vmem>>
          tpu.wait_dma2 semaphore(%arg12 : memref<!tpu.dma_semaphore, #tpu.memory_space<semaphore_mem>>) src(%dma_wait3A_236 : memref<400x64xf32, #tpu.memory_space<vmem>>) dst(%dma_wait3A_232 : memref<400x64xf32, #tpu.memory_space<hbm>>)
        } else {
        }
        %add3A_166 = arith.constant 1 : i32
        %add3A_167 = arith.addi %add3A_93, %add3A_166 : i32
        %mul3A_168 = arith.constant 4 : i32
        %mul3A_169 = arith.muli %add3A_167, %mul3A_168 : i32
        %add3A_170 = arith.addi %mul3A_2, %mul3A_169 : i32
        %run_scoped3A_171 = arith.constant 1 : i32
        "tpu.region"() ({
          %run_scoped3A_224 = tpu.sem_alloc : memref<!tpu.dma_semaphore, #tpu.memory_space<semaphore_mem>>
          %dma_start3A_225 = arith.constant 0 : i32
          %dma_start3A_226 = arith.constant 0 : i32
          %dma_start3A_227 = tpu.memref_slice %arg6[%run_scoped3A_171, %dma_start3A_225, %dma_start3A_226] : memref<2x4x100xi32, #tpu.memory_space<vmem>> -> memref<1x4x100xi32, #tpu.memory_space<vmem>>
          %dma_start3A_228 = tpu.memref_squeeze %dma_start3A_227 : memref<1x4x100xi32, #tpu.memory_space<vmem>> -> memref<4x100xi32, #tpu.memory_space<vmem>>
          %dma_start3A_229 = arith.constant 0 : i32
          %dma_start3A_230 = tpu.memref_slice %arg2[%add3A_170, %dma_start3A_229] : memref<8192x100xi32, #tpu.memory_space<hbm>> -> memref<4x100xi32, #tpu.memory_space<hbm>>
          %dma_start3A_231 = arith.constant 0 : i32
          %dma_start3A_232 = arith.constant 0 : i32
          %dma_start3A_233 = tpu.memref_slice %arg6[%run_scoped3A_171, %dma_start3A_231, %dma_start3A_232] : memref<2x4x100xi32, #tpu.memory_space<vmem>> -> memref<1x4x100xi32, #tpu.memory_space<vmem>>
          %dma_start3A_234 = tpu.memref_squeeze %dma_start3A_233 : memref<1x4x100xi32, #tpu.memory_space<vmem>> -> memref<4x100xi32, #tpu.memory_space<vmem>>
          %dma_start3A_235 = arith.constant 0 : i32
          %dma_start3A_236 = tpu.memref_slice %arg2[%add3A_170, %dma_start3A_235] : memref<8192x100xi32, #tpu.memory_space<hbm>> -> memref<4x100xi32, #tpu.memory_space<hbm>>
          tpu.enqueue_dma source(%dma_start3A_236 : memref<4x100xi32, #tpu.memory_space<hbm>>) target(%dma_start3A_234 : memref<4x100xi32, #tpu.memory_space<vmem>>) target_semaphore(%run_scoped3A_224 : memref<!tpu.dma_semaphore, #tpu.memory_space<semaphore_mem>>)
          %dma_wait3A_237 = arith.constant 0 : i32
          %dma_wait3A_238 = arith.constant 0 : i32
          %dma_wait3A_239 = tpu.memref_slice %arg6[%run_scoped3A_171, %dma_wait3A_237, %dma_wait3A_238] : memref<2x4x100xi32, #tpu.memory_space<vmem>> -> memref<1x4x100xi32, #tpu.memory_space<vmem>>
          %dma_wait3A_240 = tpu.memref_squeeze %dma_wait3A_239 : memref<1x4x100xi32, #tpu.memory_space<vmem>> -> memref<4x100xi32, #tpu.memory_space<vmem>>
          %dma_wait3A_241 = arith.constant 0 : i32
          %dma_wait3A_242 = tpu.memref_slice %arg2[%add3A_170, %dma_wait3A_241] : memref<8192x100xi32, #tpu.memory_space<hbm>> -> memref<4x100xi32, #tpu.memory_space<hbm>>
          %dma_wait3A_243 = arith.constant 0 : i32
          %dma_wait3A_244 = arith.constant 0 : i32
          %dma_wait3A_245 = tpu.memref_slice %arg6[%run_scoped3A_171, %dma_wait3A_243, %dma_wait3A_244] : memref<2x4x100xi32, #tpu.memory_space<vmem>> -> memref<1x4x100xi32, #tpu.memory_space<vmem>>
          %dma_wait3A_246 = tpu.memref_squeeze %dma_wait3A_245 : memref<1x4x100xi32, #tpu.memory_space<vmem>> -> memref<4x100xi32, #tpu.memory_space<vmem>>
          %dma_wait3A_247 = arith.constant 0 : i32
          %dma_wait3A_248 = tpu.memref_slice %arg2[%add3A_170, %dma_wait3A_247] : memref<8192x100xi32, #tpu.memory_space<hbm>> -> memref<4x100xi32, #tpu.memory_space<hbm>>
          tpu.wait_dma2 semaphore(%run_scoped3A_224 : memref<!tpu.dma_semaphore, #tpu.memory_space<semaphore_mem>>) src(%dma_wait3A_248 : memref<4x100xi32, #tpu.memory_space<hbm>>) dst(%dma_wait3A_246 : memref<4x100xi32, #tpu.memory_space<vmem>>)
          tpu.yield
        }) : () -> ()
        %dma_start3A_172 = arith.constant 1 : i32
        %dma_start3A_173 = arith.constant 0 : i32
        %dma_start3A_174 = arith.constant 1 : i32
        %dma_start3A_175 = arith.constant 0 : i32
        %dma_start3A_176 = arith.constant 0 : i32
        %dma_start3A_177 = tpu.memref_slice %arg7[%dma_start3A_174, %dma_start3A_175, %dma_start3A_176] : memref<2x400x64xf32, #tpu.memory_space<vmem>> -> memref<1x100x64xf32, #tpu.memory_space<vmem>>
        %dma_start3A_178 = tpu.memref_squeeze %dma_start3A_177 : memref<1x100x64xf32, #tpu.memory_space<vmem>> -> memref<100x64xf32, #tpu.memory_space<vmem>>
        %dma_start3A_179 = arith.constant 0 : i32
        %dma_start3A_180 = tpu.memref_slice %arg6[%dma_start3A_172, %dma_start3A_173, %dma_start3A_179] : memref<2x4x100xi32, #tpu.memory_space<vmem>> -> memref<1x1x100xi32, #tpu.memory_space<vmem>>
        %dma_start3A_181 = tpu.memref_squeeze %dma_start3A_180 : memref<1x1x100xi32, #tpu.memory_space<vmem>> -> memref<100xi32, #tpu.memory_space<vmem>>
        %dma_start3A_182 = arith.constant 0 : i32
        %dma_start3A_183 = arith.constant 0 : i32
        %dma_start3A_184 = tpu.memref_slice %arg3[%dma_start3A_182, %dma_start3A_183] : memref<1000000x64xf32, #tpu.memory_space<hbm>> -> memref<1000000x64xf32, #tpu.memory_space<hbm>>
        tpu.enqueue_indirect_dma source(%dma_start3A_184 : memref<1000000x64xf32, #tpu.memory_space<hbm>>) target(%dma_start3A_178 : memref<100x64xf32, #tpu.memory_space<vmem>>) offsets(%dma_start3A_181 : memref<100xi32, #tpu.memory_space<vmem>>) semaphore(%arg10 : memref<!tpu.dma_semaphore, #tpu.memory_space<semaphore_mem>>)
        %dma_start3A_185 = arith.constant 1 : i32
        %dma_start3A_186 = arith.constant 1 : i32
        %dma_start3A_187 = arith.constant 1 : i32
        %dma_start3A_188 = arith.constant 100 : i32
        %dma_start3A_189 = arith.constant 0 : i32
        %dma_start3A_190 = tpu.memref_slice %arg7[%dma_start3A_187, %dma_start3A_188, %dma_start3A_189] : memref<2x400x64xf32, #tpu.memory_space<vmem>> -> memref<1x100x64xf32, #tpu.memory_space<vmem>>
        %dma_start3A_191 = tpu.memref_squeeze %dma_start3A_190 : memref<1x100x64xf32, #tpu.memory_space<vmem>> -> memref<100x64xf32, #tpu.memory_space<vmem>>
        %dma_start3A_192 = arith.constant 0 : i32
        %dma_start3A_193 = tpu.memref_slice %arg6[%dma_start3A_185, %dma_start3A_186, %dma_start3A_192] : memref<2x4x100xi32, #tpu.memory_space<vmem>> -> memref<1x1x100xi32, #tpu.memory_space<vmem>>
        %dma_start3A_194 = tpu.memref_squeeze %dma_start3A_193 : memref<1x1x100xi32, #tpu.memory_space<vmem>> -> memref<100xi32, #tpu.memory_space<vmem>>
        %dma_start3A_195 = arith.constant 0 : i32
        %dma_start3A_196 = arith.constant 0 : i32
        %dma_start3A_197 = tpu.memref_slice %arg3[%dma_start3A_195, %dma_start3A_196] : memref<1000000x64xf32, #tpu.memory_space<hbm>> -> memref<1000000x64xf32, #tpu.memory_space<hbm>>
        tpu.enqueue_indirect_dma source(%dma_start3A_197 : memref<1000000x64xf32, #tpu.memory_space<hbm>>) target(%dma_start3A_191 : memref<100x64xf32, #tpu.memory_space<vmem>>) offsets(%dma_start3A_194 : memref<100xi32, #tpu.memory_space<vmem>>) semaphore(%arg10 : memref<!tpu.dma_semaphore, #tpu.memory_space<semaphore_mem>>)
        %dma_start3A_198 = arith.constant 1 : i32
        %dma_start3A_199 = arith.constant 2 : i32
        %dma_start3A_200 = arith.constant 1 : i32
        %dma_start3A_201 = arith.constant 200 : i32
        %dma_start3A_202 = arith.constant 0 : i32
        %dma_start3A_203 = tpu.memref_slice %arg7[%dma_start3A_200, %dma_start3A_201, %dma_start3A_202] : memref<2x400x64xf32, #tpu.memory_space<vmem>> -> memref<1x100x64xf32, #tpu.memory_space<vmem>>
        %dma_start3A_204 = tpu.memref_squeeze %dma_start3A_203 : memref<1x100x64xf32, #tpu.memory_space<vmem>> -> memref<100x64xf32, #tpu.memory_space<vmem>>
        %dma_start3A_205 = arith.constant 0 : i32
        %dma_start3A_206 = tpu.memref_slice %arg6[%dma_start3A_198, %dma_start3A_199, %dma_start3A_205] : memref<2x4x100xi32, #tpu.memory_space<vmem>> -> memref<1x1x100xi32, #tpu.memory_space<vmem>>
        %dma_start3A_207 = tpu.memref_squeeze %dma_start3A_206 : memref<1x1x100xi32, #tpu.memory_space<vmem>> -> memref<100xi32, #tpu.memory_space<vmem>>
        %dma_start3A_208 = arith.constant 0 : i32
        %dma_start3A_209 = arith.constant 0 : i32
        %dma_start3A_210 = tpu.memref_slice %arg3[%dma_start3A_208, %dma_start3A_209] : memref<1000000x64xf32, #tpu.memory_space<hbm>> -> memref<1000000x64xf32, #tpu.memory_space<hbm>>
        tpu.enqueue_indirect_dma source(%dma_start3A_210 : memref<1000000x64xf32, #tpu.memory_space<hbm>>) target(%dma_start3A_204 : memref<100x64xf32, #tpu.memory_space<vmem>>) offsets(%dma_start3A_207 : memref<100xi32, #tpu.memory_space<vmem>>) semaphore(%arg10 : memref<!tpu.dma_semaphore, #tpu.memory_space<semaphore_mem>>)
        %dma_start3A_211 = arith.constant 1 : i32
        %dma_start3A_212 = arith.constant 3 : i32
        %dma_start3A_213 = arith.constant 1 : i32
        %dma_start3A_214 = arith.constant 300 : i32
        %dma_start3A_215 = arith.constant 0 : i32
        %dma_start3A_216 = tpu.memref_slice %arg7[%dma_start3A_213, %dma_start3A_214, %dma_start3A_215] : memref<2x400x64xf32, #tpu.memory_space<vmem>> -> memref<1x100x64xf32, #tpu.memory_space<vmem>>
        %dma_start3A_217 = tpu.memref_squeeze %dma_start3A_216 : memref<1x100x64xf32, #tpu.memory_space<vmem>> -> memref<100x64xf32, #tpu.memory_space<vmem>>
        %dma_start3A_218 = arith.constant 0 : i32
        %dma_start3A_219 = tpu.memref_slice %arg6[%dma_start3A_211, %dma_start3A_212, %dma_start3A_218] : memref<2x4x100xi32, #tpu.memory_space<vmem>> -> memref<1x1x100xi32, #tpu.memory_space<vmem>>
        %dma_start3A_220 = tpu.memref_squeeze %dma_start3A_219 : memref<1x1x100xi32, #tpu.memory_space<vmem>> -> memref<100xi32, #tpu.memory_space<vmem>>
        %dma_start3A_221 = arith.constant 0 : i32
        %dma_start3A_222 = arith.constant 0 : i32
        %dma_start3A_223 = tpu.memref_slice %arg3[%dma_start3A_221, %dma_start3A_222] : memref<1000000x64xf32, #tpu.memory_space<hbm>> -> memref<1000000x64xf32, #tpu.memory_space<hbm>>
        tpu.enqueue_indirect_dma source(%dma_start3A_223 : memref<1000000x64xf32, #tpu.memory_space<hbm>>) target(%dma_start3A_217 : memref<100x64xf32, #tpu.memory_space<vmem>>) offsets(%dma_start3A_220 : memref<100xi32, #tpu.memory_space<vmem>>) semaphore(%arg10 : memref<!tpu.dma_semaphore, #tpu.memory_space<semaphore_mem>>)
      } else {
      }
      %parallel_loop3A = arith.constant 0 : i32
      %parallel_loop3A_107 = arith.constant 400 : i32
      %parallel_loop3A_108 = arith.constant 1 : i32
      scf.for %parallel_loop3A_162 = %parallel_loop3A to %parallel_loop3A_107 step %parallel_loop3A_108  : i32 {
        %parallel_loop3A_163 = arith.constant 0 : i32
        %parallel_loop3A_164 = arith.index_cast %parallel_loop3A_163 : i32 to index
        %parallel_loop3A_165 = arith.index_cast %parallel_loop3A_162 : i32 to index
        %parallel_loop3A_166 = arith.constant 0 : index
        %parallel_loop3A_167 = tpu.vector_load %arg7[%parallel_loop3A_164, %parallel_loop3A_165, %parallel_loop3A_166] {strides = array<i32>} : memref<2x400x64xf32, #tpu.memory_space<vmem>>, vector<1x1x16xf32>,
        %parallel_loop3A_168 = vector.shape_cast %parallel_loop3A_167 : vector<1x1x16xf32> to vector<16xf32>
        %parallel_loop3A_169 = arith.index_cast %parallel_loop3A_162 : i32 to index
        %parallel_loop3A_170 = arith.constant 0 : index
        %parallel_loop3A_171 = tpu.vector_load %arg8[%parallel_loop3A_169, %parallel_loop3A_170] {strides = array<i32>} : memref<400x64xf32, #tpu.memory_space<vmem>>, vector<1x16xf32>,
        %parallel_loop3A_172 = vector.shape_cast %parallel_loop3A_171 : vector<1x16xf32> to vector<16xf32>
        %parallel_loop3A_173 = arith.addf %parallel_loop3A_168, %parallel_loop3A_172 : vector<16xf32>
        %parallel_loop3A_174 = arith.constant 0 : i32
        %parallel_loop3A_175 = arith.index_cast %parallel_loop3A_174 : i32 to index
        %parallel_loop3A_176 = arith.index_cast %parallel_loop3A_162 : i32 to index
        %parallel_loop3A_177 = arith.constant 0 : index
        %parallel_loop3A_178 = tpu.vector_load %arg7[%parallel_loop3A_175, %parallel_loop3A_176, %parallel_loop3A_177] {strides = array<i32>} : memref<2x400x64xf32, #tpu.memory_space<vmem>>, vector<1x1x16xf32>,
        %parallel_loop3A_179 = vector.shape_cast %parallel_loop3A_178 : vector<1x1x16xf32> to vector<16xf32>
        %parallel_loop3A_180 = vector.shape_cast %parallel_loop3A_173 : vector<16xf32> to vector<1x1x16xf32>
        tpu.vector_store %arg7[%parallel_loop3A_175, %parallel_loop3A_176, %parallel_loop3A_177], %parallel_loop3A_180 {strides = array<i32>} : memref<2x400x64xf32, #tpu.memory_space<vmem>>, vector<1x1x16xf32>,
        %parallel_loop3A_181 = arith.constant 0 : i32
        %parallel_loop3A_182 = arith.index_cast %parallel_loop3A_181 : i32 to index
        %parallel_loop3A_183 = arith.index_cast %parallel_loop3A_162 : i32 to index
        %parallel_loop3A_184 = arith.constant 16 : index
        %parallel_loop3A_185 = tpu.vector_load %arg7[%parallel_loop3A_182, %parallel_loop3A_183, %parallel_loop3A_184] {strides = array<i32>} : memref<2x400x64xf32, #tpu.memory_space<vmem>>, vector<1x1x16xf32>,
        %parallel_loop3A_186 = vector.shape_cast %parallel_loop3A_185 : vector<1x1x16xf32> to vector<16xf32>
        %parallel_loop3A_187 = arith.index_cast %parallel_loop3A_162 : i32 to index
        %parallel_loop3A_188 = arith.constant 16 : index
        %parallel_loop3A_189 = tpu.vector_load %arg8[%parallel_loop3A_187, %parallel_loop3A_188] {strides = array<i32>} : memref<400x64xf32, #tpu.memory_space<vmem>>, vector<1x16xf32>,
        %parallel_loop3A_190 = vector.shape_cast %parallel_loop3A_189 : vector<1x16xf32> to vector<16xf32>
        %parallel_loop3A_191 = arith.addf %parallel_loop3A_186, %parallel_loop3A_190 : vector<16xf32>
        %parallel_loop3A_192 = arith.constant 0 : i32
        %parallel_loop3A_193 = arith.index_cast %parallel_loop3A_192 : i32 to index
        %parallel_loop3A_194 = arith.index_cast %parallel_loop3A_162 : i32 to index
        %parallel_loop3A_195 = arith.constant 16 : index
        %parallel_loop3A_196 = tpu.vector_load %arg7[%parallel_loop3A_193, %parallel_loop3A_194, %parallel_loop3A_195] {strides = array<i32>} : memref<2x400x64xf32, #tpu.memory_space<vmem>>, vector<1x1x16xf32>,
        %parallel_loop3A_197 = vector.shape_cast %parallel_loop3A_196 : vector<1x1x16xf32> to vector<16xf32>
        %parallel_loop3A_198 = vector.shape_cast %parallel_loop3A_191 : vector<16xf32> to vector<1x1x16xf32>
        tpu.vector_store %arg7[%parallel_loop3A_193, %parallel_loop3A_194, %parallel_loop3A_195], %parallel_loop3A_198 {strides = array<i32>} : memref<2x400x64xf32, #tpu.memory_space<vmem>>, vector<1x1x16xf32>,
        %parallel_loop3A_199 = arith.constant 0 : i32
        %parallel_loop3A_200 = arith.index_cast %parallel_loop3A_199 : i32 to index
        %parallel_loop3A_201 = arith.index_cast %parallel_loop3A_162 : i32 to index
        %parallel_loop3A_202 = arith.constant 32 : index
        %parallel_loop3A_203 = tpu.vector_load %arg7[%parallel_loop3A_200, %parallel_loop3A_201, %parallel_loop3A_202] {strides = array<i32>} : memref<2x400x64xf32, #tpu.memory_space<vmem>>, vector<1x1x16xf32>,
        %parallel_loop3A_204 = vector.shape_cast %parallel_loop3A_203 : vector<1x1x16xf32> to vector<16xf32>
        %parallel_loop3A_205 = arith.index_cast %parallel_loop3A_162 : i32 to index
        %parallel_loop3A_206 = arith.constant 32 : index
        %parallel_loop3A_207 = tpu.vector_load %arg8[%parallel_loop3A_205, %parallel_loop3A_206] {strides = array<i32>} : memref<400x64xf32, #tpu.memory_space<vmem>>, vector<1x16xf32>,
        %parallel_loop3A_208 = vector.shape_cast %parallel_loop3A_207 : vector<1x16xf32> to vector<16xf32>
        %parallel_loop3A_209 = arith.addf %parallel_loop3A_204, %parallel_loop3A_208 : vector<16xf32>
        %parallel_loop3A_210 = arith.constant 0 : i32
        %parallel_loop3A_211 = arith.index_cast %parallel_loop3A_210 : i32 to index
        %parallel_loop3A_212 = arith.index_cast %parallel_loop3A_162 : i32 to index
        %parallel_loop3A_213 = arith.constant 32 : index
        %parallel_loop3A_214 = tpu.vector_load %arg7[%parallel_loop3A_211, %parallel_loop3A_212, %parallel_loop3A_213] {strides = array<i32>} : memref<2x400x64xf32, #tpu.memory_space<vmem>>, vector<1x1x16xf32>,
        %parallel_loop3A_215 = vector.shape_cast %parallel_loop3A_214 : vector<1x1x16xf32> to vector<16xf32>
        %parallel_loop3A_216 = vector.shape_cast %parallel_loop3A_209 : vector<16xf32> to vector<1x1x16xf32>
        tpu.vector_store %arg7[%parallel_loop3A_211, %parallel_loop3A_212, %parallel_loop3A_213], %parallel_loop3A_216 {strides = array<i32>} : memref<2x400x64xf32, #tpu.memory_space<vmem>>, vector<1x1x16xf32>,
        %parallel_loop3A_217 = arith.constant 0 : i32
        %parallel_loop3A_218 = arith.index_cast %parallel_loop3A_217 : i32 to index
        %parallel_loop3A_219 = arith.index_cast %parallel_loop3A_162 : i32 to index
        %parallel_loop3A_220 = arith.constant 48 : index
        %parallel_loop3A_221 = tpu.vector_load %arg7[%parallel_loop3A_218, %parallel_loop3A_219, %parallel_loop3A_220] {strides = array<i32>} : memref<2x400x64xf32, #tpu.memory_space<vmem>>, vector<1x1x16xf32>,
        %parallel_loop3A_222 = vector.shape_cast %parallel_loop3A_221 : vector<1x1x16xf32> to vector<16xf32>
        %parallel_loop3A_223 = arith.index_cast %parallel_loop3A_162 : i32 to index
        %parallel_loop3A_224 = arith.constant 48 : index
        %parallel_loop3A_225 = tpu.vector_load %arg8[%parallel_loop3A_223, %parallel_loop3A_224] {strides = array<i32>} : memref<400x64xf32, #tpu.memory_space<vmem>>, vector<1x16xf32>,
        %parallel_loop3A_226 = vector.shape_cast %parallel_loop3A_225 : vector<1x16xf32> to vector<16xf32>
        %parallel_loop3A_227 = arith.addf %parallel_loop3A_222, %parallel_loop3A_226 : vector<16xf32>
        %parallel_loop3A_228 = arith.constant 0 : i32
        %parallel_loop3A_229 = arith.index_cast %parallel_loop3A_228 : i32 to index
        %parallel_loop3A_230 = arith.index_cast %parallel_loop3A_162 : i32 to index
        %parallel_loop3A_231 = arith.constant 48 : index
        %parallel_loop3A_232 = tpu.vector_load %arg7[%parallel_loop3A_229, %parallel_loop3A_230, %parallel_loop3A_231] {strides = array<i32>} : memref<2x400x64xf32, #tpu.memory_space<vmem>>, vector<1x1x16xf32>,
        %parallel_loop3A_233 = vector.shape_cast %parallel_loop3A_232 : vector<1x1x16xf32> to vector<16xf32>
        %parallel_loop3A_234 = vector.shape_cast %parallel_loop3A_227 : vector<16xf32> to vector<1x1x16xf32>
        tpu.vector_store %arg7[%parallel_loop3A_229, %parallel_loop3A_230, %parallel_loop3A_231], %parallel_loop3A_234 {strides = array<i32>} : memref<2x400x64xf32, #tpu.memory_space<vmem>>, vector<1x1x16xf32>,
      } {sc.loop_unroll_factor = 8 : i64, sc.parallel_access}
      %mul3A_109 = arith.constant 400 : i32
      %mul3A_110 = arith.muli %add3A_93, %mul3A_109 : i32
      %add3A_111 = arith.addi %mul3A_4, %mul3A_110 : i32
      %dma_start3A_112 = arith.constant 0 : i32
      %dma_start3A_113 = arith.constant 0 : i32
      %dma_start3A_114 = arith.constant 0 : i32
      %dma_start3A_115 = tpu.memref_slice %arg7[%dma_start3A_112, %dma_start3A_113, %dma_start3A_114] : memref<2x400x64xf32, #tpu.memory_space<vmem>> -> memref<1x400x64xf32, #tpu.memory_space<vmem>>
      %dma_start3A_116 = tpu.memref_squeeze %dma_start3A_115 : memref<1x400x64xf32, #tpu.memory_space<vmem>> -> memref<400x64xf32, #tpu.memory_space<vmem>>
      %dma_start3A_117 = arith.constant 0 : i32
      %dma_start3A_118 = tpu.memref_slice %arg5[%add3A_111, %dma_start3A_117] : memref<819200x64xf32, #tpu.memory_space<hbm>> -> memref<400x64xf32, #tpu.memory_space<hbm>>
      %dma_start3A_119 = arith.constant 0 : i32
      %dma_start3A_120 = tpu.memref_slice %arg5[%add3A_111, %dma_start3A_119] : memref<819200x64xf32, #tpu.memory_space<hbm>> -> memref<400x64xf32, #tpu.memory_space<hbm>>
      %dma_start3A_121 = arith.constant 0 : i32
      %dma_start3A_122 = arith.constant 0 : i32
      %dma_start3A_123 = tpu.memref_slice %arg7[%dma_start3A_112, %dma_start3A_121, %dma_start3A_122] : memref<2x400x64xf32, #tpu.memory_space<vmem>> -> memref<1x400x64xf32, #tpu.memory_space<vmem>>
      %dma_start3A_124 = tpu.memref_squeeze %dma_start3A_123 : memref<1x400x64xf32, #tpu.memory_space<vmem>> -> memref<400x64xf32, #tpu.memory_space<vmem>>
      tpu.enqueue_dma source(%dma_start3A_124 : memref<400x64xf32, #tpu.memory_space<vmem>>) target(%dma_start3A_120 : memref<400x64xf32, #tpu.memory_space<hbm>>) target_semaphore(%arg11 : memref<!tpu.dma_semaphore, #tpu.memory_space<semaphore_mem>>)
      %add3A_125 = arith.constant 1 : i32
      %add3A_126 = arith.addi %add3A_91, %add3A_125 : i32
      %dma_wait3A_127 = arith.constant 1 : i32
      %dma_wait3A_128 = arith.constant 0 : i32
      %dma_wait3A_129 = arith.constant 0 : i32
      %dma_wait3A_130 = tpu.memref_slice %arg7[%dma_wait3A_127, %dma_wait3A_128, %dma_wait3A_129] : memref<2x400x64xf32, #tpu.memory_space<vmem>> -> memref<1x400x64xf32, #tpu.memory_space<vmem>>
      %dma_wait3A_131 = tpu.memref_squeeze %dma_wait3A_130 : memref<1x400x64xf32, #tpu.memory_space<vmem>> -> memref<400x64xf32, #tpu.memory_space<vmem>>
      %dma_wait3A_132 = arith.constant 0 : i32
      %dma_wait3A_133 = arith.constant 0 : i32
      %dma_wait3A_134 = tpu.memref_slice %arg7[%dma_wait3A_127, %dma_wait3A_132, %dma_wait3A_133] : memref<2x400x64xf32, #tpu.memory_space<vmem>> -> memref<1x400x64xf32, #tpu.memory_space<vmem>>
      %dma_wait3A_135 = tpu.memref_squeeze %dma_wait3A_134 : memref<1x400x64xf32, #tpu.memory_space<vmem>> -> memref<400x64xf32, #tpu.memory_space<vmem>>
      tpu.wait_dma2 semaphore(%arg10 : memref<!tpu.dma_semaphore, #tpu.memory_space<semaphore_mem>>) src(%arg4 : memref<400x64xf32, #tpu.memory_space<hbm>>) dst(%dma_wait3A_135 : memref<400x64xf32, #tpu.memory_space<vmem>>)
      %add3A_136 = arith.constant 1 : i32
      %add3A_137 = arith.addi %add3A_126, %add3A_136 : i32
      %lt3A_138 = arith.constant 64 : i32
      %lt3A_139 = arith.cmpi slt, %add3A_137, %lt3A_138 : i32
      %convert_element_type3A_140 = arith.extui %lt3A_139 : i1 to i32
      %cond3A_141 = arith.constant 0 : i32
      %cond3A_142 = arith.cmpi ne, %convert_element_type3A_140, %cond3A_141 : i32
      scf.if %cond3A_142 {
        %ge3A = arith.constant 1 : i32
        %ge3A_162 = arith.cmpi sge, %add3A_126, %ge3A : i32
        %convert_element_type3A_163 = arith.extui %ge3A_162 : i1 to i32
        %cond3A_164 = arith.constant 0 : i32
        %cond3A_165 = arith.cmpi ne, %convert_element_type3A_163, %cond3A_164 : i32
        scf.if %cond3A_165 {
          %dma_wait3A_224 = arith.constant 0 : i32
          %dma_wait3A_225 = arith.constant 0 : i32
          %dma_wait3A_226 = arith.constant 0 : i32
          %dma_wait3A_227 = tpu.memref_slice %arg7[%dma_wait3A_224, %dma_wait3A_225, %dma_wait3A_226] : memref<2x400x64xf32, #tpu.memory_space<vmem>> -> memref<1x400x64xf32, #tpu.memory_space<vmem>>
          %dma_wait3A_228 = tpu.memref_squeeze %dma_wait3A_227 : memref<1x400x64xf32, #tpu.memory_space<vmem>> -> memref<400x64xf32, #tpu.memory_space<vmem>>
          %dma_wait3A_229 = arith.constant 0 : i32
          %dma_wait3A_230 = tpu.memref_slice %arg5[%mul3A_4, %dma_wait3A_229] : memref<819200x64xf32, #tpu.memory_space<hbm>> -> memref<400x64xf32, #tpu.memory_space<hbm>>
          %dma_wait3A_231 = arith.constant 0 : i32
          %dma_wait3A_232 = tpu.memref_slice %arg5[%mul3A_4, %dma_wait3A_231] : memref<819200x64xf32, #tpu.memory_space<hbm>> -> memref<400x64xf32, #tpu.memory_space<hbm>>
          %dma_wait3A_233 = arith.constant 0 : i32
          %dma_wait3A_234 = arith.constant 0 : i32
          %dma_wait3A_235 = tpu.memref_slice %arg7[%dma_wait3A_224, %dma_wait3A_233, %dma_wait3A_234] : memref<2x400x64xf32, #tpu.memory_space<vmem>> -> memref<1x400x64xf32, #tpu.memory_space<vmem>>
          %dma_wait3A_236 = tpu.memref_squeeze %dma_wait3A_235 : memref<1x400x64xf32, #tpu.memory_space<vmem>> -> memref<400x64xf32, #tpu.memory_space<vmem>>
          tpu.wait_dma2 semaphore(%arg11 : memref<!tpu.dma_semaphore, #tpu.memory_space<semaphore_mem>>) src(%dma_wait3A_236 : memref<400x64xf32, #tpu.memory_space<vmem>>) dst(%dma_wait3A_232 : memref<400x64xf32, #tpu.memory_space<hbm>>)
        } else {
        }
        %add3A_166 = arith.constant 1 : i32
        %add3A_167 = arith.addi %add3A_126, %add3A_166 : i32
        %mul3A_168 = arith.constant 4 : i32
        %mul3A_169 = arith.muli %add3A_167, %mul3A_168 : i32
        %add3A_170 = arith.addi %mul3A_2, %mul3A_169 : i32
        %run_scoped3A_171 = arith.constant 0 : i32
        "tpu.region"() ({
          %run_scoped3A_224 = tpu.sem_alloc : memref<!tpu.dma_semaphore, #tpu.memory_space<semaphore_mem>>
          %dma_start3A_225 = arith.constant 0 : i32
          %dma_start3A_226 = arith.constant 0 : i32
          %dma_start3A_227 = tpu.memref_slice %arg6[%run_scoped3A_171, %dma_start3A_225, %dma_start3A_226] : memref<2x4x100xi32, #tpu.memory_space<vmem>> -> memref<1x4x100xi32, #tpu.memory_space<vmem>>
          %dma_start3A_228 = tpu.memref_squeeze %dma_start3A_227 : memref<1x4x100xi32, #tpu.memory_space<vmem>> -> memref<4x100xi32, #tpu.memory_space<vmem>>
          %dma_start3A_229 = arith.constant 0 : i32
          %dma_start3A_230 = tpu.memref_slice %arg2[%add3A_170, %dma_start3A_229] : memref<8192x100xi32, #tpu.memory_space<hbm>> -> memref<4x100xi32, #tpu.memory_space<hbm>>
          %dma_start3A_231 = arith.constant 0 : i32
          %dma_start3A_232 = arith.constant 0 : i32
          %dma_start3A_233 = tpu.memref_slice %arg6[%run_scoped3A_171, %dma_start3A_231, %dma_start3A_232] : memref<2x4x100xi32, #tpu.memory_space<vmem>> -> memref<1x4x100xi32, #tpu.memory_space<vmem>>
          %dma_start3A_234 = tpu.memref_squeeze %dma_start3A_233 : memref<1x4x100xi32, #tpu.memory_space<vmem>> -> memref<4x100xi32, #tpu.memory_space<vmem>>
          %dma_start3A_235 = arith.constant 0 : i32
          %dma_start3A_236 = tpu.memref_slice %arg2[%add3A_170, %dma_start3A_235] : memref<8192x100xi32, #tpu.memory_space<hbm>> -> memref<4x100xi32, #tpu.memory_space<hbm>>
          tpu.enqueue_dma source(%dma_start3A_236 : memref<4x100xi32, #tpu.memory_space<hbm>>) target(%dma_start3A_234 : memref<4x100xi32, #tpu.memory_space<vmem>>) target_semaphore(%run_scoped3A_224 : memref<!tpu.dma_semaphore, #tpu.memory_space<semaphore_mem>>)
          %dma_wait3A_237 = arith.constant 0 : i32
          %dma_wait3A_238 = arith.constant 0 : i32
          %dma_wait3A_239 = tpu.memref_slice %arg6[%run_scoped3A_171, %dma_wait3A_237, %dma_wait3A_238] : memref<2x4x100xi32, #tpu.memory_space<vmem>> -> memref<1x4x100xi32, #tpu.memory_space<vmem>>
          %dma_wait3A_240 = tpu.memref_squeeze %dma_wait3A_239 : memref<1x4x100xi32, #tpu.memory_space<vmem>> -> memref<4x100xi32, #tpu.memory_space<vmem>>
          %dma_wait3A_241 = arith.constant 0 : i32
          %dma_wait3A_242 = tpu.memref_slice %arg2[%add3A_170, %dma_wait3A_241] : memref<8192x100xi32, #tpu.memory_space<hbm>> -> memref<4x100xi32, #tpu.memory_space<hbm>>
          %dma_wait3A_243 = arith.constant 0 : i32
          %dma_wait3A_244 = arith.constant 0 : i32
          %dma_wait3A_245 = tpu.memref_slice %arg6[%run_scoped3A_171, %dma_wait3A_243, %dma_wait3A_244] : memref<2x4x100xi32, #tpu.memory_space<vmem>> -> memref<1x4x100xi32, #tpu.memory_space<vmem>>
          %dma_wait3A_246 = tpu.memref_squeeze %dma_wait3A_245 : memref<1x4x100xi32, #tpu.memory_space<vmem>> -> memref<4x100xi32, #tpu.memory_space<vmem>>
          %dma_wait3A_247 = arith.constant 0 : i32
          %dma_wait3A_248 = tpu.memref_slice %arg2[%add3A_170, %dma_wait3A_247] : memref<8192x100xi32, #tpu.memory_space<hbm>> -> memref<4x100xi32, #tpu.memory_space<hbm>>
          tpu.wait_dma2 semaphore(%run_scoped3A_224 : memref<!tpu.dma_semaphore, #tpu.memory_space<semaphore_mem>>) src(%dma_wait3A_248 : memref<4x100xi32, #tpu.memory_space<hbm>>) dst(%dma_wait3A_246 : memref<4x100xi32, #tpu.memory_space<vmem>>)
          tpu.yield
        }) : () -> ()
        %dma_start3A_172 = arith.constant 0 : i32
        %dma_start3A_173 = arith.constant 0 : i32
        %dma_start3A_174 = arith.constant 0 : i32
        %dma_start3A_175 = arith.constant 0 : i32
        %dma_start3A_176 = arith.constant 0 : i32
        %dma_start3A_177 = tpu.memref_slice %arg7[%dma_start3A_174, %dma_start3A_175, %dma_start3A_176] : memref<2x400x64xf32, #tpu.memory_space<vmem>> -> memref<1x100x64xf32, #tpu.memory_space<vmem>>
        %dma_start3A_178 = tpu.memref_squeeze %dma_start3A_177 : memref<1x100x64xf32, #tpu.memory_space<vmem>> -> memref<100x64xf32, #tpu.memory_space<vmem>>
        %dma_start3A_179 = arith.constant 0 : i32
        %dma_start3A_180 = tpu.memref_slice %arg6[%dma_start3A_172, %dma_start3A_173, %dma_start3A_179] : memref<2x4x100xi32, #tpu.memory_space<vmem>> -> memref<1x1x100xi32, #tpu.memory_space<vmem>>
        %dma_start3A_181 = tpu.memref_squeeze %dma_start3A_180 : memref<1x1x100xi32, #tpu.memory_space<vmem>> -> memref<100xi32, #tpu.memory_space<vmem>>
        %dma_start3A_182 = arith.constant 0 : i32
        %dma_start3A_183 = arith.constant 0 : i32
        %dma_start3A_184 = tpu.memref_slice %arg3[%dma_start3A_182, %dma_start3A_183] : memref<1000000x64xf32, #tpu.memory_space<hbm>> -> memref<1000000x64xf32, #tpu.memory_space<hbm>>
        tpu.enqueue_indirect_dma source(%dma_start3A_184 : memref<1000000x64xf32, #tpu.memory_space<hbm>>) target(%dma_start3A_178 : memref<100x64xf32, #tpu.memory_space<vmem>>) offsets(%dma_start3A_181 : memref<100xi32, #tpu.memory_space<vmem>>) semaphore(%arg9 : memref<!tpu.dma_semaphore, #tpu.memory_space<semaphore_mem>>)
        %dma_start3A_185 = arith.constant 0 : i32
        %dma_start3A_186 = arith.constant 1 : i32
        %dma_start3A_187 = arith.constant 0 : i32
        %dma_start3A_188 = arith.constant 100 : i32
        %dma_start3A_189 = arith.constant 0 : i32
        %dma_start3A_190 = tpu.memref_slice %arg7[%dma_start3A_187, %dma_start3A_188, %dma_start3A_189] : memref<2x400x64xf32, #tpu.memory_space<vmem>> -> memref<1x100x64xf32, #tpu.memory_space<vmem>>
        %dma_start3A_191 = tpu.memref_squeeze %dma_start3A_190 : memref<1x100x64xf32, #tpu.memory_space<vmem>> -> memref<100x64xf32, #tpu.memory_space<vmem>>
        %dma_start3A_192 = arith.constant 0 : i32
        %dma_start3A_193 = tpu.memref_slice %arg6[%dma_start3A_185, %dma_start3A_186, %dma_start3A_192] : memref<2x4x100xi32, #tpu.memory_space<vmem>> -> memref<1x1x100xi32, #tpu.memory_space<vmem>>
        %dma_start3A_194 = tpu.memref_squeeze %dma_start3A_193 : memref<1x1x100xi32, #tpu.memory_space<vmem>> -> memref<100xi32, #tpu.memory_space<vmem>>
        %dma_start3A_195 = arith.constant 0 : i32
        %dma_start3A_196 = arith.constant 0 : i32
        %dma_start3A_197 = tpu.memref_slice %arg3[%dma_start3A_195, %dma_start3A_196] : memref<1000000x64xf32, #tpu.memory_space<hbm>> -> memref<1000000x64xf32, #tpu.memory_space<hbm>>
        tpu.enqueue_indirect_dma source(%dma_start3A_197 : memref<1000000x64xf32, #tpu.memory_space<hbm>>) target(%dma_start3A_191 : memref<100x64xf32, #tpu.memory_space<vmem>>) offsets(%dma_start3A_194 : memref<100xi32, #tpu.memory_space<vmem>>) semaphore(%arg9 : memref<!tpu.dma_semaphore, #tpu.memory_space<semaphore_mem>>)
        %dma_start3A_198 = arith.constant 0 : i32
        %dma_start3A_199 = arith.constant 2 : i32
        %dma_start3A_200 = arith.constant 0 : i32
        %dma_start3A_201 = arith.constant 200 : i32
        %dma_start3A_202 = arith.constant 0 : i32
        %dma_start3A_203 = tpu.memref_slice %arg7[%dma_start3A_200, %dma_start3A_201, %dma_start3A_202] : memref<2x400x64xf32, #tpu.memory_space<vmem>> -> memref<1x100x64xf32, #tpu.memory_space<vmem>>
        %dma_start3A_204 = tpu.memref_squeeze %dma_start3A_203 : memref<1x100x64xf32, #tpu.memory_space<vmem>> -> memref<100x64xf32, #tpu.memory_space<vmem>>
        %dma_start3A_205 = arith.constant 0 : i32
        %dma_start3A_206 = tpu.memref_slice %arg6[%dma_start3A_198, %dma_start3A_199, %dma_start3A_205] : memref<2x4x100xi32, #tpu.memory_space<vmem>> -> memref<1x1x100xi32, #tpu.memory_space<vmem>>
        %dma_start3A_207 = tpu.memref_squeeze %dma_start3A_206 : memref<1x1x100xi32, #tpu.memory_space<vmem>> -> memref<100xi32, #tpu.memory_space<vmem>>
        %dma_start3A_208 = arith.constant 0 : i32
        %dma_start3A_209 = arith.constant 0 : i32
        %dma_start3A_210 = tpu.memref_slice %arg3[%dma_start3A_208, %dma_start3A_209] : memref<1000000x64xf32, #tpu.memory_space<hbm>> -> memref<1000000x64xf32, #tpu.memory_space<hbm>>
        tpu.enqueue_indirect_dma source(%dma_start3A_210 : memref<1000000x64xf32, #tpu.memory_space<hbm>>) target(%dma_start3A_204 : memref<100x64xf32, #tpu.memory_space<vmem>>) offsets(%dma_start3A_207 : memref<100xi32, #tpu.memory_space<vmem>>) semaphore(%arg9 : memref<!tpu.dma_semaphore, #tpu.memory_space<semaphore_mem>>)
        %dma_start3A_211 = arith.constant 0 : i32
        %dma_start3A_212 = arith.constant 3 : i32
        %dma_start3A_213 = arith.constant 0 : i32
        %dma_start3A_214 = arith.constant 300 : i32
        %dma_start3A_215 = arith.constant 0 : i32
        %dma_start3A_216 = tpu.memref_slice %arg7[%dma_start3A_213, %dma_start3A_214, %dma_start3A_215] : memref<2x400x64xf32, #tpu.memory_space<vmem>> -> memref<1x100x64xf32, #tpu.memory_space<vmem>>
        %dma_start3A_217 = tpu.memref_squeeze %dma_start3A_216 : memref<1x100x64xf32, #tpu.memory_space<vmem>> -> memref<100x64xf32, #tpu.memory_space<vmem>>
        %dma_start3A_218 = arith.constant 0 : i32
        %dma_start3A_219 = tpu.memref_slice %arg6[%dma_start3A_211, %dma_start3A_212, %dma_start3A_218] : memref<2x4x100xi32, #tpu.memory_space<vmem>> -> memref<1x1x100xi32, #tpu.memory_space<vmem>>
        %dma_start3A_220 = tpu.memref_squeeze %dma_start3A_219 : memref<1x1x100xi32, #tpu.memory_space<vmem>> -> memref<100xi32, #tpu.memory_space<vmem>>
        %dma_start3A_221 = arith.constant 0 : i32
        %dma_start3A_222 = arith.constant 0 : i32
        %dma_start3A_223 = tpu.memref_slice %arg3[%dma_start3A_221, %dma_start3A_222] : memref<1000000x64xf32, #tpu.memory_space<hbm>> -> memref<1000000x64xf32, #tpu.memory_space<hbm>>
        tpu.enqueue_indirect_dma source(%dma_start3A_223 : memref<1000000x64xf32, #tpu.memory_space<hbm>>) target(%dma_start3A_217 : memref<100x64xf32, #tpu.memory_space<vmem>>) offsets(%dma_start3A_220 : memref<100xi32, #tpu.memory_space<vmem>>) semaphore(%arg9 : memref<!tpu.dma_semaphore, #tpu.memory_space<semaphore_mem>>)
      } else {
      }
      %parallel_loop3A_143 = arith.constant 0 : i32
      %parallel_loop3A_144 = arith.constant 400 : i32
      %parallel_loop3A_145 = arith.constant 1 : i32
      scf.for %parallel_loop3A_162 = %parallel_loop3A_143 to %parallel_loop3A_144 step %parallel_loop3A_145  : i32 {
        %parallel_loop3A_163 = arith.constant 1 : i32
        %parallel_loop3A_164 = arith.index_cast %parallel_loop3A_163 : i32 to index
        %parallel_loop3A_165 = arith.index_cast %parallel_loop3A_162 : i32 to index
        %parallel_loop3A_166 = arith.constant 0 : index
        %parallel_loop3A_167 = tpu.vector_load %arg7[%parallel_loop3A_164, %parallel_loop3A_165, %parallel_loop3A_166] {strides = array<i32>} : memref<2x400x64xf32, #tpu.memory_space<vmem>>, vector<1x1x16xf32>,
        %parallel_loop3A_168 = vector.shape_cast %parallel_loop3A_167 : vector<1x1x16xf32> to vector<16xf32>
        %parallel_loop3A_169 = arith.index_cast %parallel_loop3A_162 : i32 to index
        %parallel_loop3A_170 = arith.constant 0 : index
        %parallel_loop3A_171 = tpu.vector_load %arg8[%parallel_loop3A_169, %parallel_loop3A_170] {strides = array<i32>} : memref<400x64xf32, #tpu.memory_space<vmem>>, vector<1x16xf32>,
        %parallel_loop3A_172 = vector.shape_cast %parallel_loop3A_171 : vector<1x16xf32> to vector<16xf32>
        %parallel_loop3A_173 = arith.addf %parallel_loop3A_168, %parallel_loop3A_172 : vector<16xf32>
        %parallel_loop3A_174 = arith.constant 1 : i32
        %parallel_loop3A_175 = arith.index_cast %parallel_loop3A_174 : i32 to index
        %parallel_loop3A_176 = arith.index_cast %parallel_loop3A_162 : i32 to index
        %parallel_loop3A_177 = arith.constant 0 : index
        %parallel_loop3A_178 = tpu.vector_load %arg7[%parallel_loop3A_175, %parallel_loop3A_176, %parallel_loop3A_177] {strides = array<i32>} : memref<2x400x64xf32, #tpu.memory_space<vmem>>, vector<1x1x16xf32>,
        %parallel_loop3A_179 = vector.shape_cast %parallel_loop3A_178 : vector<1x1x16xf32> to vector<16xf32>
        %parallel_loop3A_180 = vector.shape_cast %parallel_loop3A_173 : vector<16xf32> to vector<1x1x16xf32>
        tpu.vector_store %arg7[%parallel_loop3A_175, %parallel_loop3A_176, %parallel_loop3A_177], %parallel_loop3A_180 {strides = array<i32>} : memref<2x400x64xf32, #tpu.memory_space<vmem>>, vector<1x1x16xf32>,
        %parallel_loop3A_181 = arith.constant 1 : i32
        %parallel_loop3A_182 = arith.index_cast %parallel_loop3A_181 : i32 to index
        %parallel_loop3A_183 = arith.index_cast %parallel_loop3A_162 : i32 to index
        %parallel_loop3A_184 = arith.constant 16 : index
        %parallel_loop3A_185 = tpu.vector_load %arg7[%parallel_loop3A_182, %parallel_loop3A_183, %parallel_loop3A_184] {strides = array<i32>} : memref<2x400x64xf32, #tpu.memory_space<vmem>>, vector<1x1x16xf32>,
        %parallel_loop3A_186 = vector.shape_cast %parallel_loop3A_185 : vector<1x1x16xf32> to vector<16xf32>
        %parallel_loop3A_187 = arith.index_cast %parallel_loop3A_162 : i32 to index
        %parallel_loop3A_188 = arith.constant 16 : index
        %parallel_loop3A_189 = tpu.vector_load %arg8[%parallel_loop3A_187, %parallel_loop3A_188] {strides = array<i32>} : memref<400x64xf32, #tpu.memory_space<vmem>>, vector<1x16xf32>,
        %parallel_loop3A_190 = vector.shape_cast %parallel_loop3A_189 : vector<1x16xf32> to vector<16xf32>
        %parallel_loop3A_191 = arith.addf %parallel_loop3A_186, %parallel_loop3A_190 : vector<16xf32>
        %parallel_loop3A_192 = arith.constant 1 : i32
        %parallel_loop3A_193 = arith.index_cast %parallel_loop3A_192 : i32 to index
        %parallel_loop3A_194 = arith.index_cast %parallel_loop3A_162 : i32 to index
        %parallel_loop3A_195 = arith.constant 16 : index
        %parallel_loop3A_196 = tpu.vector_load %arg7[%parallel_loop3A_193, %parallel_loop3A_194, %parallel_loop3A_195] {strides = array<i32>} : memref<2x400x64xf32, #tpu.memory_space<vmem>>, vector<1x1x16xf32>,
        %parallel_loop3A_197 = vector.shape_cast %parallel_loop3A_196 : vector<1x1x16xf32> to vector<16xf32>
        %parallel_loop3A_198 = vector.shape_cast %parallel_loop3A_191 : vector<16xf32> to vector<1x1x16xf32>
        tpu.vector_store %arg7[%parallel_loop3A_193, %parallel_loop3A_194, %parallel_loop3A_195], %parallel_loop3A_198 {strides = array<i32>} : memref<2x400x64xf32, #tpu.memory_space<vmem>>, vector<1x1x16xf32>,
        %parallel_loop3A_199 = arith.constant 1 : i32
        %parallel_loop3A_200 = arith.index_cast %parallel_loop3A_199 : i32 to index
        %parallel_loop3A_201 = arith.index_cast %parallel_loop3A_162 : i32 to index
        %parallel_loop3A_202 = arith.constant 32 : index
        %parallel_loop3A_203 = tpu.vector_load %arg7[%parallel_loop3A_200, %parallel_loop3A_201, %parallel_loop3A_202] {strides = array<i32>} : memref<2x400x64xf32, #tpu.memory_space<vmem>>, vector<1x1x16xf32>,
        %parallel_loop3A_204 = vector.shape_cast %parallel_loop3A_203 : vector<1x1x16xf32> to vector<16xf32>
        %parallel_loop3A_205 = arith.index_cast %parallel_loop3A_162 : i32 to index
        %parallel_loop3A_206 = arith.constant 32 : index
        %parallel_loop3A_207 = tpu.vector_load %arg8[%parallel_loop3A_205, %parallel_loop3A_206] {strides = array<i32>} : memref<400x64xf32, #tpu.memory_space<vmem>>, vector<1x16xf32>,
        %parallel_loop3A_208 = vector.shape_cast %parallel_loop3A_207 : vector<1x16xf32> to vector<16xf32>
        %parallel_loop3A_209 = arith.addf %parallel_loop3A_204, %parallel_loop3A_208 : vector<16xf32>
        %parallel_loop3A_210 = arith.constant 1 : i32
        %parallel_loop3A_211 = arith.index_cast %parallel_loop3A_210 : i32 to index
        %parallel_loop3A_212 = arith.index_cast %parallel_loop3A_162 : i32 to index
        %parallel_loop3A_213 = arith.constant 32 : index
        %parallel_loop3A_214 = tpu.vector_load %arg7[%parallel_loop3A_211, %parallel_loop3A_212, %parallel_loop3A_213] {strides = array<i32>} : memref<2x400x64xf32, #tpu.memory_space<vmem>>, vector<1x1x16xf32>,
        %parallel_loop3A_215 = vector.shape_cast %parallel_loop3A_214 : vector<1x1x16xf32> to vector<16xf32>
        %parallel_loop3A_216 = vector.shape_cast %parallel_loop3A_209 : vector<16xf32> to vector<1x1x16xf32>
        tpu.vector_store %arg7[%parallel_loop3A_211, %parallel_loop3A_212, %parallel_loop3A_213], %parallel_loop3A_216 {strides = array<i32>} : memref<2x400x64xf32, #tpu.memory_space<vmem>>, vector<1x1x16xf32>,
        %parallel_loop3A_217 = arith.constant 1 : i32
        %parallel_loop3A_218 = arith.index_cast %parallel_loop3A_217 : i32 to index
        %parallel_loop3A_219 = arith.index_cast %parallel_loop3A_162 : i32 to index
        %parallel_loop3A_220 = arith.constant 48 : index
        %parallel_loop3A_221 = tpu.vector_load %arg7[%parallel_loop3A_218, %parallel_loop3A_219, %parallel_loop3A_220] {strides = array<i32>} : memref<2x400x64xf32, #tpu.memory_space<vmem>>, vector<1x1x16xf32>,
        %parallel_loop3A_222 = vector.shape_cast %parallel_loop3A_221 : vector<1x1x16xf32> to vector<16xf32>
        %parallel_loop3A_223 = arith.index_cast %parallel_loop3A_162 : i32 to index
        %parallel_loop3A_224 = arith.constant 48 : index
        %parallel_loop3A_225 = tpu.vector_load %arg8[%parallel_loop3A_223, %parallel_loop3A_224] {strides = array<i32>} : memref<400x64xf32, #tpu.memory_space<vmem>>, vector<1x16xf32>,
        %parallel_loop3A_226 = vector.shape_cast %parallel_loop3A_225 : vector<1x16xf32> to vector<16xf32>
        %parallel_loop3A_227 = arith.addf %parallel_loop3A_222, %parallel_loop3A_226 : vector<16xf32>
        %parallel_loop3A_228 = arith.constant 1 : i32
        %parallel_loop3A_229 = arith.index_cast %parallel_loop3A_228 : i32 to index
        %parallel_loop3A_230 = arith.index_cast %parallel_loop3A_162 : i32 to index
        %parallel_loop3A_231 = arith.constant 48 : index
        %parallel_loop3A_232 = tpu.vector_load %arg7[%parallel_loop3A_229, %parallel_loop3A_230, %parallel_loop3A_231] {strides = array<i32>} : memref<2x400x64xf32, #tpu.memory_space<vmem>>, vector<1x1x16xf32>,
        %parallel_loop3A_233 = vector.shape_cast %parallel_loop3A_232 : vector<1x1x16xf32> to vector<16xf32>
        %parallel_loop3A_234 = vector.shape_cast %parallel_loop3A_227 : vector<16xf32> to vector<1x1x16xf32>
        tpu.vector_store %arg7[%parallel_loop3A_229, %parallel_loop3A_230, %parallel_loop3A_231], %parallel_loop3A_234 {strides = array<i32>} : memref<2x400x64xf32, #tpu.memory_space<vmem>>, vector<1x1x16xf32>,
      } {sc.loop_unroll_factor = 8 : i64, sc.parallel_access}
      %mul3A_146 = arith.constant 400 : i32
      %mul3A_147 = arith.muli %add3A_126, %mul3A_146 : i32
      %add3A_148 = arith.addi %mul3A_4, %mul3A_147 : i32
      %dma_start3A_149 = arith.constant 1 : i32
      %dma_start3A_150 = arith.constant 0 : i32
      %dma_start3A_151 = arith.constant 0 : i32
      %dma_start3A_152 = tpu.memref_slice %arg7[%dma_start3A_149, %dma_start3A_150, %dma_start3A_151] : memref<2x400x64xf32, #tpu.memory_space<vmem>> -> memref<1x400x64xf32, #tpu.memory_space<vmem>>
      %dma_start3A_153 = tpu.memref_squeeze %dma_start3A_152 : memref<1x400x64xf32, #tpu.memory_space<vmem>> -> memref<400x64xf32, #tpu.memory_space<vmem>>
      %dma_start3A_154 = arith.constant 0 : i32
      %dma_start3A_155 = tpu.memref_slice %arg5[%add3A_148, %dma_start3A_154] : memref<819200x64xf32, #tpu.memory_space<hbm>> -> memref<400x64xf32, #tpu.memory_space<hbm>>
      %dma_start3A_156 = arith.constant 0 : i32
      %dma_start3A_157 = tpu.memref_slice %arg5[%add3A_148, %dma_start3A_156] : memref<819200x64xf32, #tpu.memory_space<hbm>> -> memref<400x64xf32, #tpu.memory_space<hbm>>
      %dma_start3A_158 = arith.constant 0 : i32
      %dma_start3A_159 = arith.constant 0 : i32
      %dma_start3A_160 = tpu.memref_slice %arg7[%dma_start3A_149, %dma_start3A_158, %dma_start3A_159] : memref<2x400x64xf32, #tpu.memory_space<vmem>> -> memref<1x400x64xf32, #tpu.memory_space<vmem>>
      %dma_start3A_161 = tpu.memref_squeeze %dma_start3A_160 : memref<1x400x64xf32, #tpu.memory_space<vmem>> -> memref<400x64xf32, #tpu.memory_space<vmem>>
      tpu.enqueue_dma source(%dma_start3A_161 : memref<400x64xf32, #tpu.memory_space<vmem>>) target(%dma_start3A_157 : memref<400x64xf32, #tpu.memory_space<hbm>>) target_semaphore(%arg12 : memref<!tpu.dma_semaphore, #tpu.memory_space<semaphore_mem>>)
    }
    %scan3A_61 = arith.constant 32 : i32
    %dma_wait3A = arith.constant 0 : i32
    %dma_wait3A_62 = arith.constant 0 : i32
    %dma_wait3A_63 = arith.constant 0 : i32
    %dma_wait3A_64 = tpu.memref_slice %arg7[%dma_wait3A, %dma_wait3A_62, %dma_wait3A_63] : memref<2x400x64xf32, #tpu.memory_space<vmem>> -> memref<1x400x64xf32, #tpu.memory_space<vmem>>
    %dma_wait3A_65 = tpu.memref_squeeze %dma_wait3A_64 : memref<1x400x64xf32, #tpu.memory_space<vmem>> -> memref<400x64xf32, #tpu.memory_space<vmem>>
    %dma_wait3A_66 = arith.constant 0 : i32
    %dma_wait3A_67 = tpu.memref_slice %arg5[%mul3A_4, %dma_wait3A_66] : memref<819200x64xf32, #tpu.memory_space<hbm>> -> memref<400x64xf32, #tpu.memory_space<hbm>>
    %dma_wait3A_68 = arith.constant 0 : i32
    %dma_wait3A_69 = tpu.memref_slice %arg5[%mul3A_4, %dma_wait3A_68] : memref<819200x64xf32, #tpu.memory_space<hbm>> -> memref<400x64xf32, #tpu.memory_space<hbm>>
    %dma_wait3A_70 = arith.constant 0 : i32
    %dma_wait3A_71 = arith.constant 0 : i32
    %dma_wait3A_72 = tpu.memref_slice %arg7[%dma_wait3A, %dma_wait3A_70, %dma_wait3A_71] : memref<2x400x64xf32, #tpu.memory_space<vmem>> -> memref<1x400x64xf32, #tpu.memory_space<vmem>>
    %dma_wait3A_73 = tpu.memref_squeeze %dma_wait3A_72 : memref<1x400x64xf32, #tpu.memory_space<vmem>> -> memref<400x64xf32, #tpu.memory_space<vmem>>
    tpu.wait_dma2 semaphore(%arg11 : memref<!tpu.dma_semaphore, #tpu.memory_space<semaphore_mem>>) src(%dma_wait3A_73 : memref<400x64xf32, #tpu.memory_space<vmem>>) dst(%dma_wait3A_69 : memref<400x64xf32, #tpu.memory_space<hbm>>)
    %dma_wait3A_74 = arith.constant 1 : i32
    %dma_wait3A_75 = arith.constant 0 : i32
    %dma_wait3A_76 = arith.constant 0 : i32
    %dma_wait3A_77 = tpu.memref_slice %arg7[%dma_wait3A_74, %dma_wait3A_75, %dma_wait3A_76] : memref<2x400x64xf32, #tpu.memory_space<vmem>> -> memref<1x400x64xf32, #tpu.memory_space<vmem>>
    %dma_wait3A_78 = tpu.memref_squeeze %dma_wait3A_77 : memref<1x400x64xf32, #tpu.memory_space<vmem>> -> memref<400x64xf32, #tpu.memory_space<vmem>>
    %dma_wait3A_79 = arith.constant 0 : i32
    %dma_wait3A_80 = tpu.memref_slice %arg5[%mul3A_4, %dma_wait3A_79] : memref<819200x64xf32, #tpu.memory_space<hbm>> -> memref<400x64xf32, #tpu.memory_space<hbm>>
    %dma_wait3A_81 = arith.constant 0 : i32
    %dma_wait3A_82 = tpu.memref_slice %arg5[%mul3A_4, %dma_wait3A_81] : memref<819200x64xf32, #tpu.memory_space<hbm>> -> memref<400x64xf32, #tpu.memory_space<hbm>>
    %dma_wait3A_83 = arith.constant 0 : i32
    %dma_wait3A_84 = arith.constant 0 : i32
    %dma_wait3A_85 = tpu.memref_slice %arg7[%dma_wait3A_74, %dma_wait3A_83, %dma_wait3A_84] : memref<2x400x64xf32, #tpu.memory_space<vmem>> -> memref<1x400x64xf32, #tpu.memory_space<vmem>>
    %dma_wait3A_86 = tpu.memref_squeeze %dma_wait3A_85 : memref<1x400x64xf32, #tpu.memory_space<vmem>> -> memref<400x64xf32, #tpu.memory_space<vmem>>
    tpu.wait_dma2 semaphore(%arg12 : memref<!tpu.dma_semaphore, #tpu.memory_space<semaphore_mem>>) src(%dma_wait3A_86 : memref<400x64xf32, #tpu.memory_space<vmem>>) dst(%dma_wait3A_82 : memref<400x64xf32, #tpu.memory_space<hbm>>)
    return
  }
}

</mosaic_0001>

<sc_bundles>
// kernel: kernel.3.cloned.1.call-start
scs
__scs_entry_jumppad:
0x0: {  	(pc) =	sbr.rel $0x88, $3  }
0x1: {  	(tag) =	ssettag $0x0;
	lr =	simm.s32 $0x1  }
0x2: {  	[smem:$0x3F9F] =	sst lr;
	_ =	strace $0xD0000000  }
0x3: {  	_ = 	snop  }
0x4: {  	_ = 	snop  }
0x5: {  	_ = 	snop  }
0x6: {  	_ = 	snop  }
0x7: {  	_ = 	snop  }
__scs_overlays_trampoline_lowered:
0x8: {  	[smem:$0x3FAE] =	sst s0  }
0x9: {  	[smem:$0x3FAF] =	sst s1  }
0xa: {  	[smem:$0x3FB0] =	sst s2  }
0xb: {  	[smem:$0x3FB1] =	sst s3  }
0xc: {  	[smem:$0x3FB2] =	sst s4  }
0xd: {  	[smem:$0x3FB3] =	sst s5  }
0xe: {  	[smem:$0x3FB4] =	sst s6  }
0xf: {  	[smem:$0x3FB5] =	sst s7  }
0x10: {  	[smem:$0x3FB6] =	sst s8  }
0x11: {  	[smem:$0x3FB7] =	sst s9;
	s0 =	simm.s32 @!p0 $0x0  }
0x12: {  	s1 =	sld [smem:$0x3F9D];
	s0 =	simm.s32 @p0 $0x1  }
0x13: {  	[smem:$0x3FB8] =	sst s0;
	s0 =	simm.s32 @!p1 $0x0  }
0x14: {  	s2 =	sld [smem:$0x3F9C];
	s0 =	simm.s32 @p1 $0x1  }
0x15: {  	[smem:$0x3FB9] =	sst s0;
	s0 =	simm.s32 @!p2 $0x0  }
0x16: {  	s3 =	sld [smem:$0x3FDB];
	s0 =	simm.s32 @p2 $0x1  }
0x17: {  	s4 =	simm.s32 $0x1BF5;
	[smem:$0x3FBB] =	sst s0  }
0x18: {  	s0 =	sld [smem:$0x3F9E];
	_ =	swait.ge [sflag:s4], $0x0  }
0x19: {  	s7 =	sld [smem:$0x3F9F]  }
0x1a: {  	s8 =	sadd.s32 $0xFFFFE003, lr  }
0x1b: {  	s9 =	sadd.s32 $0xFFFFFEF7, lr;
	s5 =	simm.s32 $0xFFFFFFFF;
	p2 =	slt.u32 s8, $0xFFFFF086  }
0x1c: {  	p1 =	slt.u32 s9, $0xF7A;
	s5 =	simm.s32 @!p2 $0x0  }
0x1d: {  	s5 =	simm.s32 @p1 $0x1;
	p0 =	seq.s32 s7, s2  }
0x1e: {  	s7 =	smul.u32 @!p0 $0xF7A, s2;
	p2 =	seq.s32 @!p0 s5, $0x0  }
0x1f: {  	s9 =	smul.u32 $0xF7A, s1;
	s8 =	simm.s32 @!p0 $0x1BF5;
	p2 =	por !p2, p0  }
0x20: {  	[sflag:s8] =	ssyncset.s32 @!p0 $0xFFFFF086;
	s6 =	sadd.s32 @!p0 s3, s7;
	s7 =	simm.s32 @!p0 $0x108  }
0x21: {  	s3 =	sadd.s32 s3, s9;
	s6 =	sadd.s32 @!p0 $0x88, s6;
	s7 =	simm.s32 @p2 $0x1082  }
0x22: {  	[simem:s7], [sflag:s8] =	dma.local @!p0 [hbm:s6], $0xF7A  }
0x23: {  	s9 =	sor.u32 $0xD0000000, s2;
	s6 =	simm.s32 $0x108;
	_ =	swait.ge @!p0 [sflag:s8], $0x0  }
0x24: {  	s3 =	sadd.s32 $0x88, s3;
	s6 =	simm.s32 @!p1 $0x1082;
	[sflag:s4] =	ssyncset.s32 $0xFFFFF086  }
0x25: {  	[simem:s6], [sflag:s4] =	dma.local [hbm:s3], $0xF7A  }
0x26: {  	[smem:$0x3F9F] =	sst s1;
	(tag) =	ssettag s2;
	_ =	strace s9  }
0x27: {  	s1 =	sld [smem:$0x3FAF]  }
0x28: {  	s2 =	sld [smem:$0x3FB0]  }
0x29: {  	s4 =	sld [smem:$0x3FB2]  }
0x2a: {  	p0 =	seq.s32 s5, $0x0;
	s5 =	sld [smem:$0x3FB3]  }
0x2b: {  	s6 =	sld [smem:$0x3FB4]  }
0x2c: {  	s7 =	sld [smem:$0x3FB5]  }
0x2d: {  	s3 =	simm.s32 $0x108;
	s8 =	sld [smem:$0x3FB6]  }
0x2e: {  	s3 =	simm.s32 @!p0 $0x1082;
	s9 =	sld [smem:$0x3FB7]  }
0x2f: {  	lr =	sadd.s32 s0, s3;
	s0 =	sld [smem:$0x3FAE]  }
0x30: {  	s3 =	sld [smem:$0x3FB1]  }
0x31: {  	[smem:$0x3FBA] =	sst s10  }
0x32: {  	s10 =	sld [smem:$0x3FB8];
	_ =	sdelay $0x3  }
0x33: {  	p0 =	seq.s32 s10, $0x1;
	s10 =	sld [smem:$0x3FBA];
	_ =	sdelay $0x3  }
0x34: {  	[smem:$0x3FBA] =	sst s10  }
0x35: {  	s10 =	sld [smem:$0x3FB9];
	_ =	sdelay $0x3  }
0x36: {  	p1 =	seq.s32 s10, $0x1;
	s10 =	sld [smem:$0x3FBA];
	_ =	sdelay $0x3  }
0x37: {  	[smem:$0x3FBA] =	sst s10  }
0x38: {  	s10 =	sld [smem:$0x3FBB]  }
0x39: {  	_ = 	snop;
	(pc) =	sbr.ind lr, $3  }
0x3a: {  	_ = 	snop  }
0x3b: {  	_ = 	snop  }
0x3c: {  	p2 =	seq.s32 s10, $0x1;
	s10 =	sld [smem:$0x3FBA]  }
0x3d: {  	_ =	shalt  }
0x3e: {  	_ =	shalt  }
0x3f: {  	_ =	shalt  }
0x40: {  	_ =	shalt  }
0x41: {  	_ =	shalt  }
0x42: {  	_ =	shalt  }
0x43: {  	_ =	shalt  }
0x44: {  	_ =	shalt  }
0x45: {  	_ =	shalt  }
0x46: {  	_ =	shalt  }
0x47: {  	_ =	shalt  }
0x48: {  	_ =	shalt  }
0x49: {  	_ =	shalt  }
0x4a: {  	_ =	shalt  }
0x4b: {  	_ =	shalt  }
0x4c: {  	_ =	shalt  }
0x4d: {  	_ =	shalt  }
0x4e: {  	_ =	shalt  }
0x4f: {  	_ =	shalt  }
0x50: {  	_ =	shalt  }
0x51: {  	_ =	shalt  }
0x52: {  	_ =	shalt  }
0x53: {  	_ =	shalt  }
0x54: {  	_ =	shalt  }
0x55: {  	_ =	shalt  }
0x56: {  	_ =	shalt  }
0x57: {  	_ =	shalt  }
0x58: {  	_ =	shalt  }
0x59: {  	_ =	shalt  }
0x5a: {  	_ =	shalt  }
0x5b: {  	_ =	shalt  }
0x5c: {  	_ =	shalt  }
0x5d: {  	_ =	shalt  }
0x5e: {  	_ =	shalt  }
0x5f: {  	_ =	shalt  }
0x60: {  	_ =	shalt  }
0x61: {  	_ =	shalt  }
0x62: {  	_ =	shalt  }
0x63: {  	_ =	shalt  }
0x64: {  	_ =	shalt  }
0x65: {  	_ =	shalt  }
0x66: {  	_ =	shalt  }
0x67: {  	_ =	shalt  }
0x68: {  	_ =	shalt  }
0x69: {  	_ =	shalt  }
0x6a: {  	_ =	shalt  }
0x6b: {  	_ =	shalt  }
0x6c: {  	_ =	shalt  }
0x6d: {  	_ =	shalt  }
0x6e: {  	_ =	shalt  }
0x6f: {  	_ =	shalt  }
0x70: {  	_ =	shalt  }
0x71: {  	_ =	shalt  }
0x72: {  	_ =	shalt  }
0x73: {  	_ =	shalt  }
0x74: {  	_ =	shalt  }
0x75: {  	_ =	shalt  }
0x76: {  	_ =	shalt  }
0x77: {  	_ =	shalt  }
0x78: {  	_ =	shalt  }
0x79: {  	_ =	shalt  }
0x7a: {  	_ =	shalt  }
0x7b: {  	_ =	shalt  }
0x7c: {  	_ =	shalt  }
0x7d: {  	_ =	shalt  }
0x7e: {  	_ =	shalt  }
0x7f: {  	_ =	shalt  }
0x80: {  	_ =	shalt  }
0x81: {  	_ =	shalt  }
0x82: {  	_ =	shalt  }
0x83: {  	_ =	shalt  }
0x84: {  	_ =	shalt  }
0x85: {  	_ =	shalt  }
0x86: {  	_ =	shalt  }
0x87: {  	_ =	shalt  }
.Lfunc_end0:
.L_simem_size_0:
called_computation.1_lowered:
.L_overlay_start_0:
0x88: {  	s2 =	sld [smem:$0x3FD9]  }
0x89: {  	s3 =	sld [smem:$0x3FFE];
	_ =	sdelay $0x1  }
0x8a: {  	s1 =	srdreg.scid  }
0x8b: {  	s0 =	sand.u32 $0x1, s1  }
0x8c: {  	s17 =	sshll.u32 s0, $0xA;
	s2 =	sadd.s32 s3, s2  }
0x8d: {  	s2 =	sadd.s32 s2, s17  }
0x8e: {  	[smem:$0x3FC6] =	sst s2  }
0x8f: {  	_ = 	snop  }
0x90: {  	s2 =	sld [smem:$0x3FD0];
	(tm) =	ssettm $0x1  }
0x91: {  	s18 =	sld [smem:$0x3FFB];
	_ =	sdelay $0x3  }
0x92: {  	_ =	strace s18  }
0x93: {  	s3 =	sld [smem:$0x3FFC];
	_ =	sdelay $0x3  }
0x94: {  	_ =	strace s3  }
0x95: {  	s3 =	sld [smem:$0x3FFD];
	_ =	sdelay $0x3  }
0x96: {  	_ =	strace s3  }
0x97: {  	_ =	strace $0x8FFFFFFF  }
0x98: {  	s19 =	sld [smem:$0x3FDB];
	_ =	sdelay $0x1  }
0x99: {  	s4 =	simm.s32 $_scs_section_size  }
0x9a: {  	s5 =	simm.s32 $_size__tile_overlayer_lowered;
	s6 =	simm.s32 $_tile_overlayer_lowered  }
0x9b: {  	s22 =	simm.s32 $0x1BFF;
	s21 =	sshll.u32 s6, $0x1;
	s3 =	sadd.s32 s4, s19  }
0x9c: {  	s7 =	simm.s32 $0x0;
	s20 =	sshll.u32 s5, $0x1;
	s5 =	sadd.s32 s21, s3  }
0x9d: {  	[timem:s7], [sflag:s22] =	dma.local [hbm:s5], s20  }
0x9e: {  	_ =	swait.ge [sflag:s22], s20  }
0x9f: {  	s4 =	ssub.s32 $0x0, s20;
	[sflag:s22] =	ssyncset.done $0x0  }
0xa0: {  	[sflag:s22] =	ssyncadd.s32 s4;
	_ =	sdelay $0x1  }
0xa1: {  	s23 =	simm.s32 $0x1B8B  }
0xa2: {  	_ =	swait.ge [sflag:s23], $0x1  }
0xa3: {  	[sflag:s23] =	ssyncset.done $0x0  }
0xa4: {  	s25 =	simm.s32 $0x1B8E;
	s24 =	sld [smem:$0x3FFE];
	[sflag:s23] =	ssyncadd.s32 $0xFFFFFFFF  }
0xa5: {  	s26 =	simm.s32 $execute0_lowered;
	[smem:$0x3FD2] =	sst s25  }
0xa6: {  	s5 =	sshll.u32 s26, $0x1;
	_ =	strace $0x80000046;
	[dreg:$0x1] =	wrdreg $0xFFFFFFFF  }
0xa7: {  	s28 =	simm.s32 $_size_execute0_lowered;
	s3 =	sadd.s32 s3, s5;
	[dreg:$0x0] =	wrdreg $0x0  }
0xa8: {  	s5 =	sshll.u32 s28, $0x1;
	[dreg:$0x2] =	wrdreg s3  }
0xa9: {  	[dreg:$0x3] =	wrdreg s5  }
0xaa: {  	[dreg:$0x4] =	wrdreg $0xC0  }
0xab: {  	_ =	task [dreg:s7], $0x5FFFF  }
0xac: {  	[dreg:$0x1] =	wrdreg $0xFFFFFFFF  }
0xad: {  	[dreg:$0x0] =	wrdreg $0x60  }
0xae: {  	[dreg:$0x2] =	wrdreg s24  }
0xaf: {  	[dreg:$0x3] =	wrdreg s2  }
0xb0: {  	[dreg:$0x4] =	wrdreg $0x9  }
0xb1: {  	_ =	task.clear_ibuf [dreg:s7], $0x5FFFF;
	_ =	strace $0x90000046  }
0xb2: {  	s29 =	simm.s32 $0x9;
	_ =	strace $0x80000048  }
0xb3: {  	_ =	swait.ge [sflag:s29], $0x1  }
0xb4: {  	[sflag:s29] =	ssyncadd.s32 $0xFFFFFFFF  }
0xb5: {  	_ =	strace $0x90000048  }
0xb6: {  	_ =	sfence  }
0xb7: {  	s30 =	sld [smem:$0x0];
	_ =	sdelay $0x2  }
0xb8: {  	s31 =	sshll.u32 s1, $0xD;
	s1 =	sshrl.u32 s1, $0x2  }
0xb9: {  	s3 =	sand.u32 $0x4000, s31;
	s1 =	sadd.s32 s1, s30  }
0xba: {  	s0 =	sor.u32 s3, s0;
	s1 =	sshll.u32 s1, $0x11  }
0xbb: {  	s0 =	sor.u32 s1, s0  }
0xbc: {  	s0 =	sadd.s32 $0x8F2B, s0  }
0xbd: {  	[sflag:s0] =	ssyncadd.remote.s32 $0x1  }
0xbe: {  	_ =	sfence.sel $0xFFFF  }
0xbf: {  	[dreg:$0x0] =	wrdreg $0xFFFFFFFF;
	(pc) =	sbr.abs _section_cstart, $3  }
0xc0: {  	[dreg:$0x1] =	wrdreg $0xFFFFFFFF  }
0xc1: {  	_ =	task.clear_ibuf [dreg:s7], $0x2FFFF;
	_ =	strace $0x9FFFFFFF  }
0xc2: {  	(tm) =	ssettm $0x7FFFFFFF  }
0xc3: {  	_ =	shalt  }
tec
execute0_lowered:
.L_overlay_start_1:
0x0: {  	(tag) =	ssettag $0x1  }
0x1: {  	s0 =	rddreg [dreg:$0x0]  }
0x2: {  	s1 =	rddreg [dreg:$0x1];
	s3 =	simm.s32 $0x0  }
0x3: {  	s2 =	srdreg.scid;
	s4 =	stileid.u32;
	s13 =	simm.s32 $0x5  }
0x4: {  	s14 =	simm.s32 $0x64;
	s15 =	simm.s32 $0x340;
	s22 =	simm.s32 $0x1  }
0x5: {  	s23 =	simm.s32 $0x1A0;
	s24 =	simm.s32 $0x6740;
	s25 =	simm.s32 $0x208  }
0x6: {  	s28 =	simm.s32 $0x270;
	s29 =	simm.s32 $0x9940;
	s30 =	simm.s32 $0x2D8  }
0x7: {  	s31 =	simm.s32 $0xB240;
	s12 =	simm.s32 $0x4;
	s16 =	simm.s32 $0x0  }
0x8: {  	[smem:$0x7FF] =	sst s3;
	s2 =	sand.u32 $0x1, s2;
	s5 =	sshll.u32 s4, $0x1  }
0x9: {  	s4 =	sadd.s32 $0x1200, s0;
	_ =	strace $0x80000047;
	s6 =	ssub.s32 $0x2, s2  }
0xa: {  	s2 =	sor.u32 s2, s5;
	s5 =	sadd.s32 $0xF43600, s0;
	s0 =	sadd.s32 $0x400, s0  }
0xb: {  	s7 =	sshrl.u32 s6, $0x1;
	s9 =	smul.u32 $0xD00, s2;
	[dreg:$0x3] =	wrdreg s0  }
0xc: {  	s8 =	smul.u32 $0x6400, s2;
	s0 =	simm.s32 $0x2;
	s26 =	ssub.s32 s6, s7  }
0xd: {  	s7 =	sshll.u32 s2, $0x8;
	s2 =	simm.s32 $0x3;
	s9 =	sadd.s32 s4, s9  }
0xe: {  	s10 =	sor.u32 $0x8, s7;
	s11 =	smax.u32 s26, $0x1;
	s26 =	simm.s32 $0x8040  }
.LBB2_1:
0xf: {  	s6 =	rddreg [dreg:$0x3];
	s17 =	simm.s32 $0xCB40  }
0x10: {  	[tilespmem:s17], [sflag:$0x5] =	stream.linear.gather [hbm4b:s6+s3], $0x6400, $0x38;
	[tilespmem:$0x12F40] =	vst v63  }
0x11: {  	_ =	swait.ge [sflag:s13], $0x6400  }
0x12: {  	[sflag:s13] =	ssyncset.done $0x0  }
0x13: {  	[sflag:s13] =	ssyncadd.s32 $0xFFFF9C00  }
0x14: {  	[tilespmem:s3], [sflag:$0x5] =	stream.linear.gather [hbm4b:s9+s3], $0x1A0, $0x38;
	[tilespmem:$0x12F40] =	vst v63  }
0x15: {  	_ =	swait.ge [sflag:s13], $0x1A0  }
0x16: {  	[sflag:s13] =	ssyncset.done $0x0  }
0x17: {  	[sflag:s13] =	ssyncadd.s32 $0xFFFFFE60  }
0x18: {  	[tilespmem:s15], [sflag:$0x1] =	stream.indirect.gather [hbm4b:s5+s14], $0x40, s3, s14, $0xb8;
	[tilespmem:$0x12F40] =	vst v63  }
0x19: {  	s20 =	simm.s32 $0x68;
	s21 =	simm.s32 $0x1C40  }
0x1a: {  	[tilespmem:s21], [sflag:$0x1] =	stream.indirect.gather [hbm4b:s5+s14], $0x40, s20, s14, $0xb8;
	[tilespmem:$0x12F40] =	vst v63  }
0x1b: {  	s18 =	simm.s32 $0xD0;
	s19 =	simm.s32 $0x3540  }
0x1c: {  	[tilespmem:s19], [sflag:$0x1] =	stream.indirect.gather [hbm4b:s5+s14], $0x40, s18, s14, $0xb8;
	[tilespmem:$0x12F40] =	vst v63  }
0x1d: {  	s17 =	simm.s32 $0x0;
	s20 =	simm.s32 $0x138;
	s21 =	simm.s32 $0x4E40  }
0x1e: {  	[tilespmem:s21], [sflag:$0x1] =	stream.indirect.gather [hbm4b:s5+s14], $0x40, s20, s14, $0xb8;
	[tilespmem:$0x12F40] =	vst v63  }
.LBB2_2:
0x1f: {  	_ =	swait.ge [sflag:s22], $0x6400;
	s18 =	sshllo.u32 s17, $0x1  }
0x20: {  	p0 =	seq.s32 s17, $0x0;
	[sflag:s22] =	ssyncset.done $0x0;
	s6 =	sshll.u32 s18, $0x2  }
0x21: {  	s19 =	simm.s32 @!p0 $0x4;
	[sflag:s22] =	ssyncadd.s32 $0xFFFF9C00;
	s6 =	sadd.s32 s7, s6  }
0x22: {  	_ =	swait.ge @!p0 [sflag:s19], $0x6400;
	s6 =	smul.u32 $0xD, s6  }
0x23: {  	[sflag:s19] =	ssyncset.done @!p0 $0x0  }
0x24: {  	[sflag:s19] =	ssyncadd.s32 @!p0 $0xFFFF9C00;
	s6 =	sadd.s32 s4, s6  }
0x25: {  	[tilespmem:s23], [sflag:$0x5] =	stream.linear.gather [hbm4b:s6+s3], $0x1A0, $0x38;
	[tilespmem:$0x12F40] =	vst v63  }
0x26: {  	_ =	swait.ge [sflag:s13], $0x1A0  }
0x27: {  	[sflag:s13] =	ssyncset.done $0x0  }
0x28: {  	[sflag:s13] =	ssyncadd.s32 $0xFFFFFE60  }
0x29: {  	[tilespmem:s24], [sflag:$0x2] =	stream.indirect.gather [hbm4b:s5+s14], $0x40, s23, s14, $0xb8;
	[tilespmem:$0x12F40] =	vst v63  }
0x2a: {  	_ = 	snop  }
0x2b: {  	[tilespmem:s26], [sflag:$0x2] =	stream.indirect.gather [hbm4b:s5+s14], $0x40, s25, s14, $0xb8;
	[tilespmem:$0x12F40] =	vst v63  }
0x2c: {  	_ = 	snop  }
0x2d: {  	[tilespmem:s29], [sflag:$0x2] =	stream.indirect.gather [hbm4b:s5+s14], $0x40, s28, s14, $0xb8;
	[tilespmem:$0x12F40] =	vst v63  }
0x2e: {  	s19 =	simm.s32 $0x440  }
0x2f: {  	[tilespmem:s31], [sflag:$0x2] =	stream.indirect.gather [hbm4b:s5+s14], $0x40, s30, s14, $0xb8;
	[tilespmem:$0x12F40] =	vst v63  }
0x30: {  	s20 =	simm.s32 $0xCC40;
	v0 =	vld [tilespmem:s19+$0xC0]  }
0x31: {  	v1 =	vld [tilespmem:s20+$0xC0]  }
0x32: {  	v2 =	vld [tilespmem:s20+$0xFFFFFF00]  }
0x33: {  	v3 =	vld [tilespmem:s19+$0xFFFFFF40]  }
0x34: {  	v4 =	vld [tilespmem:s19+$0xFFFFFF80]  }
0x35: {  	v6 =	vld [tilespmem:s20+$0xFFFFFF80]  }
0x36: {  	v7 =	vld [tilespmem:s19+$0xFFFFFFC0]  }
0x37: {  	v8 =	vld [tilespmem:s20+$0xFFFFFFC0]  }
0x38: {  	v9 =	vld [tilespmem:s19+$0x0]  }
0x39: {  	v10 =	vld [tilespmem:s20+$0x0]  }
0x3a: {  	v11 =	vld [tilespmem:s20+$0x40]  }
0x3b: {  	v60 =	vld [tilespmem:s19+$0xFFFFFFD0]  }
0x3c: {  	v13 =	vld [tilespmem:s19+$0x10]  }
0x3d: {  	v61 =	vld [tilespmem:s19+$0xFFFFFFE0]  }
0x3e: {  	v62 =	vld [tilespmem:s19+$0x60];
	v0 =	vadd.f32 v1, v0  }
0x3f: {  	v1 =	vld [tilespmem:s20+$0xFFFFFF40]  }
0x40: {  	[tilespmem:s19+$0xC0] =	vst v0;
	v0 =	vld [tilespmem:s19+$0xD0]  }
0x41: {  	v5 =	vld [tilespmem:s20+$0xD0]  }
0x42: {  	v63 =	vld [tilespmem:s19+$0xFFFFFF30];
	v4 =	vadd.f32 v6, v4  }
0x43: {  	v6 =	vld [tilespmem:s20+$0x80]  }
0x44: {  	[tilespmem:s19+$0xFFFFFF80] =	vst v4;
	v4 =	vadd.f32 v10, v9;
	v10 =	vld [tilespmem:s19+$0xFFFFFF50];
	v1 =	vadd.f32 v1, v3  }
0x45: {  	v3 =	vld [tilespmem:s19+$0x80]  }
0x46: {  	[tilespmem:s19+$0xFFFFFF40] =	vst v1;
	v0 =	vadd.f32 v5, v0;
	v5 =	vld [tilespmem:s19+$0x40]  }
0x47: {  	v1 =	vadd.f32 v8, v7;
	v8 =	vld [tilespmem:s20+$0xFFFFFF50]  }
0x48: {  	[tilespmem:s19+$0xD0] =	vst v0;
	v0 =	vld [tilespmem:s19+$0xE0]  }
0x49: {  	[tilespmem:s19+$0x0] =	vst v4;
	v12 =	vld [tilespmem:s20+$0xE0]  }
0x4a: {  	v9 =	vld [tilespmem:s20+$0x10]  }
0x4b: {  	v7 =	vld [tilespmem:s19+$0xFFFFFF00]  }
0x4c: {  	[tilespmem:s19+$0xFFFFFFC0] =	vst v1;
	v1 =	vld [tilespmem:s20+$0xFFFFFF90]  }
0x4d: {  	v4 =	vld [tilespmem:s20+$0xFFFFFFD0];
	v8 =	vadd.f32 v8, v10  }
0x4e: {  	v5 =	vadd.f32 v11, v5;
	v11 =	vld [tilespmem:s19+$0xFFFFFF90];
	v0 =	vadd.f32 v12, v0  }
0x4f: {  	v10 =	vld [tilespmem:s19+$0x90];
	[tilespmem:s19+$0xFFFFFF50] =	vst v8  }
0x50: {  	v8 =	vld [tilespmem:s20+$0xFFFFFF60];
	[tilespmem:s19+$0xE0] =	vst v0;
	v0 =	vadd.f32 v2, v7  }
0x51: {  	[tilespmem:s19+$0x40] =	vst v5;
	v7 =	vld [tilespmem:s19+$0xF0];
	v2 =	vadd.f32 v6, v3  }
0x52: {  	v5 =	vld [tilespmem:s20+$0xF0];
	[tilespmem:s19+$0xFFFFFF00] =	vst v0  }
0x53: {  	v1 =	vadd.f32 v1, v11;
	[tilespmem:s19+$0x80] =	vst v2;
	v2 =	vld [tilespmem:s19+$0xFFFFFF10]  }
0x54: {  	v3 =	vld [tilespmem:s20+$0xFFFFFF10]  }
0x55: {  	v0 =	vld [tilespmem:s20+$0x50];
	[tilespmem:s19+$0xFFFFFF90] =	vst v1;
	v1 =	vadd.f32 v9, v13  }
0x56: {  	v4 =	vadd.f32 v4, v60;
	v6 =	vld [tilespmem:s20+$0x90]  }
0x57: {  	v9 =	vld [tilespmem:s20+$0xFFFFFFA0];
	[tilespmem:s19+$0x10] =	vst v1  }
0x58: {  	[tilespmem:s19+$0xFFFFFFD0] =	vst v4;
	v4 =	vld [tilespmem:s20+$0x20]  }
0x59: {  	v5 =	vadd.f32 v5, v7;
	v7 =	vld [tilespmem:s19+$0x30];
	v2 =	vadd.f32 v3, v2  }
0x5a: {  	v3 =	vld [tilespmem:s19+$0x50]  }
0x5b: {  	[tilespmem:s19+$0xFFFFFF10] =	vst v2;
	v2 =	vld [tilespmem:s19+$0xFFFFFF20]  }
0x5c: {  	v11 =	vld [tilespmem:s20+$0xFFFFFF20]  }
0x5d: {  	v1 =	vadd.f32 v6, v10;
	v6 =	vld [tilespmem:s19+$0xFFFFFF60]  }
0x5e: {  	v10 =	vld [tilespmem:s19+$0xFFFFFFA0];
	[tilespmem:s19+$0xF0] =	vst v5  }
0x5f: {  	v5 =	vld [tilespmem:s19+$0x70];
	[tilespmem:s19+$0x90] =	vst v1;
	v0 =	vadd.f32 v0, v3  }
0x60: {  	v1 =	vld [tilespmem:s20+$0xA0]  }
0x61: {  	v3 =	vld [tilespmem:s20+$0xFFFFFFE0];
	[tilespmem:s19+$0x50] =	vst v0;
	v2 =	vadd.f32 v11, v2  }
0x62: {  	v0 =	vld [tilespmem:s20+$0x60]  }
0x63: {  	[tilespmem:s19+$0xFFFFFF20] =	vst v2;
	v2 =	vadd.f32 v8, v6;
	v6 =	vld [tilespmem:s19+$0xA0]  }
0x64: {  	v11 =	vld [tilespmem:s19+$0x20]  }
0x65: {  	v8 =	vadd.f32 v9, v10;
	v9 =	vld [tilespmem:s19+$0xFFFFFFB0]  }
0x66: {  	v10 =	vld [tilespmem:s20+$0xFFFFFF30];
	[tilespmem:s19+$0xFFFFFF60] =	vst v2  }
0x67: {  	v2 =	vadd.f32 v3, v61;
	[tilespmem:s19+$0xFFFFFFA0] =	vst v8;
	v8 =	vld [tilespmem:s19+$0xFFFFFFF0]  }
0x68: {  	v14 =	vld [tilespmem:s20+$0xFFFFFF70];
	v6 =	vadd.f32 v1, v6  }
0x69: {  	v3 =	vadd.f32 v4, v11;
	v4 =	vld [tilespmem:s20+$0xFFFFFFB0];
	[tilespmem:s19+$0xFFFFFFE0] =	vst v2  }
0x6a: {  	v0 =	vadd.f32 v0, v62;
	[tilespmem:s19+$0xA0] =	vst v6;
	v6 =	vld [tilespmem:s19+$0xFFFFFF70]  }
0x6b: {  	v2 =	vld [tilespmem:s20+$0xFFFFFFF0];
	[tilespmem:s19+$0x20] =	vst v3  }
0x6c: {  	[tilespmem:s19+$0x60] =	vst v0;
	v3 =	vld [tilespmem:s20+$0x30]  }
0x6d: {  	v1 =	vld [tilespmem:s20+$0x70];
	v10 =	vadd.f32 v10, v63  }
0x6e: {  	v0 =	vld [tilespmem:s20+$0xB0]  }
0x6f: {  	s21 =	simm.s32 $0x0;
	s6 =	simm.s32 $0x640;
	[tilespmem:s19+$0xFFFFFF30] =	vst v10;
	v10 =	vadd.f32 v14, v6;
	v6 =	vld [tilespmem:s19+$0xB0]  }
.LBB2_3:
0x70: {  	v11 =	vld [tilespmem:s6+$0xC0];
	v4 =	vadd.f32 v4, v9;
	s20 =	sadd.s32 $0x200, s20  }
0x71: {  	s21 =	sadd.s32 $0x8, s21;
	v9 =	vld [tilespmem:s20+$0xC0];
	[tilespmem:s19+$0xFFFFFF70] =	vst v10;
	v2 =	vadd.f32 v2, v8  }
0x72: {  	p0 =	slt.u32 s21, $0x188;
	v8 =	vld [tilespmem:s20+$0xFFFFFF00];
	[tilespmem:s19+$0xFFFFFFB0] =	vst v4;
	v3 =	vadd.f32 v3, v7  }
0x73: {  	v4 =	vld [tilespmem:s6+$0xFFFFFF40];
	[tilespmem:s19+$0xFFFFFFF0] =	vst v2;
	v1 =	vadd.f32 v1, v5  }
0x74: {  	v2 =	vld [tilespmem:s20+$0xFFFFFF40];
	[tilespmem:s19+$0x30] =	vst v3;
	v0 =	vadd.f32 v0, v6  }
0x75: {  	v3 =	vld [tilespmem:s6+$0xFFFFFF80];
	[tilespmem:s19+$0x70] =	vst v1  }
0x76: {  	v1 =	vld [tilespmem:s20+$0xFFFFFF80];
	v5 =	vadd.f32 v9, v11;
	[tilespmem:s19+$0xB0] =	vst v0;
	s19 =	smov.u32 s6  }
0x77: {  	v0 =	vld [tilespmem:s6+$0xFFFFFFC0]  }
0x78: {  	[tilespmem:s6+$0xC0] =	vst v5;
	v5 =	vld [tilespmem:s6+$0xD0]  }
0x79: {  	v2 =	vadd.f32 v2, v4;
	v4 =	vld [tilespmem:s20+$0xD0]  }
0x7a: {  	v6 =	vld [tilespmem:s20+$0xFFFFFFC0]  }
0x7b: {  	[tilespmem:s6+$0xFFFFFF40] =	vst v2;
	v1 =	vadd.f32 v1, v3;
	v2 =	vld [tilespmem:s6+$0x0]  }
0x7c: {  	v3 =	vld [tilespmem:s20+$0x0]  }
0x7d: {  	[tilespmem:s6+$0xFFFFFF80] =	vst v1;
	v1 =	vld [tilespmem:s6+$0x40]  }
0x7e: {  	v7 =	vld [tilespmem:s20+$0x40];
	v4 =	vadd.f32 v4, v5  }
0x7f: {  	v0 =	vadd.f32 v6, v0;
	v5 =	vld [tilespmem:s6+$0x80]  }
0x80: {  	[tilespmem:s6+$0xD0] =	vst v4;
	v4 =	vld [tilespmem:s6+$0xE0]  }
0x81: {  	[tilespmem:s6+$0xFFFFFFC0] =	vst v0;
	v0 =	vadd.f32 v3, v2;
	v2 =	vld [tilespmem:s20+$0xE0]  }
0x82: {  	v3 =	vld [tilespmem:s20+$0x80]  }
0x83: {  	v6 =	vld [tilespmem:s6+$0xFFFFFF00];
	[tilespmem:s6+$0x0] =	vst v0;
	v0 =	vadd.f32 v7, v1  }
0x84: {  	v1 =	vld [tilespmem:s20+$0xFFFFFF50]  }
0x85: {  	v7 =	vld [tilespmem:s20+$0xFFFFFF90];
	[tilespmem:s6+$0x40] =	vst v0  }
0x86: {  	v0 =	vld [tilespmem:s20+$0xFFFFFFD0];
	v2 =	vadd.f32 v2, v4  }
0x87: {  	v4 =	vld [tilespmem:s20+$0x10];
	v3 =	vadd.f32 v3, v5  }
0x88: {  	v5 =	vadd.f32 v8, v6;
	[tilespmem:s6+$0xE0] =	vst v2;
	v2 =	vld [tilespmem:s6+$0xF0]  }
0x89: {  	[tilespmem:s6+$0x80] =	vst v3;
	v3 =	vld [tilespmem:s20+$0xF0]  }
0x8a: {  	[tilespmem:s6+$0xFFFFFF00] =	vst v5;
	v5 =	vld [tilespmem:s20+$0x50]  }
0x8b: {  	v6 =	vld [tilespmem:s20+$0xFFFFFF10]  }
0x8c: {  	v8 =	vld [tilespmem:s20+$0x90]  }
0x8d: {  	v9 =	vld [tilespmem:s6+$0xFFFFFF10]  }
0x8e: {  	v10 =	vld [tilespmem:s6+$0xFFFFFF50];
	v2 =	vadd.f32 v3, v2  }
0x8f: {  	v3 =	vld [tilespmem:s6+$0xFFFFFF90]  }
0x90: {  	v11 =	vld [tilespmem:s6+$0xFFFFFFD0];
	[tilespmem:s6+$0xF0] =	vst v2  }
0x91: {  	v2 =	vld [tilespmem:s6+$0x10]  }
0x92: {  	v6 =	vadd.f32 v6, v9;
	v9 =	vld [tilespmem:s6+$0x50]  }
0x93: {  	v1 =	vadd.f32 v1, v10;
	v10 =	vld [tilespmem:s6+$0x90]  }
0x94: {  	[tilespmem:s6+$0xFFFFFF10] =	vst v6;
	v6 =	vld [tilespmem:s6+$0xFFFFFF20];
	v3 =	vadd.f32 v7, v3  }
0x95: {  	v7 =	vld [tilespmem:s20+$0xFFFFFF20];
	[tilespmem:s6+$0xFFFFFF50] =	vst v1;
	v0 =	vadd.f32 v0, v11  }
0x96: {  	v1 =	vld [tilespmem:s20+$0xFFFFFF60];
	[tilespmem:s6+$0xFFFFFF90] =	vst v3;
	v2 =	vadd.f32 v4, v2  }
0x97: {  	v3 =	vld [tilespmem:s20+$0xFFFFFFA0];
	[tilespmem:s6+$0xFFFFFFD0] =	vst v0;
	v0 =	vadd.f32 v5, v9  }
0x98: {  	v4 =	vld [tilespmem:s20+$0xFFFFFFE0];
	[tilespmem:s6+$0x10] =	vst v2;
	v2 =	vadd.f32 v8, v10  }
0x99: {  	v5 =	vld [tilespmem:s20+$0x20];
	[tilespmem:s6+$0x50] =	vst v0  }
0x9a: {  	v0 =	vadd.f32 v7, v6;
	v6 =	vld [tilespmem:s20+$0x60];
	[tilespmem:s6+$0x90] =	vst v2  }
0x9b: {  	v7 =	vld [tilespmem:s20+$0xA0]  }
0x9c: {  	[tilespmem:s6+$0xFFFFFF20] =	vst v0;
	v0 =	vld [tilespmem:s6+$0xFFFFFF60]  }
0x9d: {  	v2 =	vld [tilespmem:s6+$0xFFFFFFA0]  }
0x9e: {  	v8 =	vld [tilespmem:s6+$0xFFFFFFE0]  }
0x9f: {  	v9 =	vld [tilespmem:s6+$0x20]  }
0xa0: {  	v10 =	vld [tilespmem:s6+$0x60]  }
0xa1: {  	v0 =	vadd.f32 v1, v0;
	v1 =	vld [tilespmem:s6+$0xA0]  }
0xa2: {  	v11 =	vld [tilespmem:s20+$0xFFFFFF30];
	v2 =	vadd.f32 v3, v2  }
0xa3: {  	v12 =	vld [tilespmem:s6+$0xFFFFFF30];
	[tilespmem:s6+$0xFFFFFF60] =	vst v0;
	v0 =	vadd.f32 v4, v8  }
0xa4: {  	v13 =	vld [tilespmem:s20+$0xFFFFFF70];
	[tilespmem:s6+$0xFFFFFFA0] =	vst v2;
	v3 =	vadd.f32 v5, v9  }
0xa5: {  	v4 =	vld [tilespmem:s20+$0xFFFFFFB0];
	[tilespmem:s6+$0xFFFFFFE0] =	vst v0;
	v0 =	vadd.f32 v6, v10  }
0xa6: {  	v2 =	vld [tilespmem:s20+$0xFFFFFFF0];
	[tilespmem:s6+$0x20] =	vst v3;
	v5 =	vadd.f32 v7, v1  }
0xa7: {  	v3 =	vld [tilespmem:s20+$0x30];
	[tilespmem:s6+$0x60] =	vst v0  }
0xa8: {  	v6 =	vadd.f32 v11, v12;
	v1 =	vld [tilespmem:s20+$0x70];
	[tilespmem:s6+$0xA0] =	vst v5  }
0xa9: {  	v0 =	vld [tilespmem:s20+$0xB0]  }
0xaa: {  	[tilespmem:s6+$0xFFFFFF30] =	vst v6;
	v6 =	vld [tilespmem:s6+$0xFFFFFF70]  }
.Ltmp0:
0xab: {  	v9 =	vld [tilespmem:s6+$0xFFFFFFB0];
	(pc) =	sbr.rel @p0 .LBB2_3-.Ltmp0, $4  }
0xac: {  	v8 =	vld [tilespmem:s6+$0xFFFFFFF0]  }
0xad: {  	v7 =	vld [tilespmem:s6+$0x30]  }
0xae: {  	v5 =	vld [tilespmem:s6+$0x70]  }
0xaf: {  	s6 =	sadd.s32 $0x200, s6;
	v10 =	vadd.f32 v13, v6;
	v6 =	vld [tilespmem:s19+$0xB0]  }
0xb0: {  	v4 =	vadd.f32 v4, v9  }
0xb1: {  	[tilespmem:s19+$0xFFFFFF70] =	vst v10;
	v2 =	vadd.f32 v2, v8  }
0xb2: {  	s6 =	smul.u32 $0x320, s17;
	[tilespmem:s19+$0xFFFFFFB0] =	vst v4;
	v3 =	vadd.f32 v3, v7  }
0xb3: {  	[tilespmem:s19+$0xFFFFFFF0] =	vst v2;
	v1 =	vadd.f32 v1, v5  }
0xb4: {  	s6 =	sadd.s32 s8, s6;
	[tilespmem:s19+$0x30] =	vst v3;
	v0 =	vadd.f32 v0, v6  }
0xb5: {  	s6 =	sshll.u32 s6, $0x3;
	[tilespmem:s19+$0x70] =	vst v1  }
0xb6: {  	s6 =	sadd.s32 s1, s6;
	[tilespmem:s19+$0xB0] =	vst v0  }
0xb7: {  	[hbm4b:s6+s3] =	stream.linear.scatter [tilespmem:s15], [sflag:$0x3], $0x6400, $0x38;
	[tilespmem:$0x12F40] =	vst v63  }
0xb8: {  	p0 =	seq.s32 s17, $0x1F;
	_ =	swait.ge [sflag:s0], $0x6400  }
0xb9: {  	s6 =	sshll.u32 @!p0 s17, $0x3;
	[sflag:s0] =	ssyncset.done $0x0  }
0xba: {  	s19 =	simm.s32 @!p0 $0x3;
	s6 =	sadd.s32 @!p0 s6, s10;
	[sflag:s0] =	ssyncadd.s32 $0xFFFF9C00  }
0xbb: {  	s6 =	smul.u32 @!p0 $0xD, s6;
	_ =	swait.ge @!p0 [sflag:s19], $0x6400  }
0xbc: {  	[sflag:s19] =	ssyncset.done @!p0 $0x0  }
0xbd: {  	s6 =	sadd.s32 @!p0 s4, s6;
	[sflag:s19] =	ssyncadd.s32 @!p0 $0xFFFF9C00;
	s19 =	simm.s32 @!p0 $0x0  }
0xbe: {  	[tilespmem:s19], [sflag:$0x5] =	stream.linear.gather @!p0 [hbm4b:s6+s19], $0x1A0, $0x38;
	[tilespmem:$0x12F40] =	vst v63  }
0xbf: {  	s6 =	simm.s32 @!p0 $0x5  }
0xc0: {  	_ =	swait.ge @!p0 [sflag:s6], $0x1A0  }
0xc1: {  	[sflag:s6] =	ssyncset.done @!p0 $0x0  }
0xc2: {  	s20 =	simm.s32 @!p0 $0x340;
	[sflag:s6] =	ssyncadd.s32 @!p0 $0xFFFFFE60;
	s6 =	simm.s32 @!p0 $0x64  }
0xc3: {  	[tilespmem:s20], [sflag:$0x1] =	stream.indirect.gather @!p0 [hbm4b:s5+s6], $0x40, s19, s6, $0xb8;
	[tilespmem:$0x12F40] =	vst v63  }
0xc4: {  	s19 =	simm.s32 @!p0 $0x68;
	s20 =	simm.s32 @!p0 $0x1C40  }
0xc5: {  	[tilespmem:s20], [sflag:$0x1] =	stream.indirect.gather @!p0 [hbm4b:s5+s6], $0x40, s19, s6, $0xb8;
	[tilespmem:$0x12F40] =	vst v63  }
0xc6: {  	s19 =	simm.s32 @!p0 $0xD0;
	s20 =	simm.s32 @!p0 $0x3540  }
0xc7: {  	[tilespmem:s20], [sflag:$0x1] =	stream.indirect.gather @!p0 [hbm4b:s5+s6], $0x40, s19, s6, $0xb8;
	[tilespmem:$0x12F40] =	vst v63  }
0xc8: {  	s19 =	simm.s32 @!p0 $0x138;
	s20 =	simm.s32 @!p0 $0x4E40  }
0xc9: {  	[tilespmem:s20], [sflag:$0x1] =	stream.indirect.gather @!p0 [hbm4b:s5+s6], $0x40, s19, s6, $0xb8;
	[tilespmem:$0x12F40] =	vst v63  }
0xca: {  	s19 =	simm.s32 $0x0  }
0xcb: {  	v0 =	vld [tilespmem:s19+$0x6930]  }
0xcc: {  	v1 =	vld [tilespmem:s19+$0xCD30]  }
0xcd: {  	v2 =	vld [tilespmem:s19+$0x6740]  }
0xce: {  	v3 =	vld [tilespmem:s19+$0xCB40]  }
0xcf: {  	v4 =	vld [tilespmem:s19+$0x6750]  }
0xd0: {  	v5 =	vld [tilespmem:s19+$0xCB50]  }
0xd1: {  	v6 =	vld [tilespmem:s19+$0x6760]  }
0xd2: {  	v7 =	vld [tilespmem:s19+$0xCB60]  }
0xd3: {  	v48 =	vld [tilespmem:s19+$0x6770]  }
0xd4: {  	v49 =	vld [tilespmem:s19+$0xCB70]  }
0xd5: {  	v50 =	vld [tilespmem:s19+$0x6780]  }
0xd6: {  	v11 =	vld [tilespmem:s19+$0xCB80]  }
0xd7: {  	v12 =	vld [tilespmem:s19+$0x6790]  }
0xd8: {  	v13 =	vld [tilespmem:s19+$0xCB90]  }
0xd9: {  	v14 =	vld [tilespmem:s19+$0x67A0]  }
0xda: {  	v15 =	vld [tilespmem:s19+$0xCBA0]  }
0xdb: {  	v16 =	vld [tilespmem:s19+$0x67B0]  }
0xdc: {  	v17 =	vld [tilespmem:s19+$0xCBB0]  }
0xdd: {  	v18 =	vld [tilespmem:s19+$0x67C0]  }
0xde: {  	v19 =	vld [tilespmem:s19+$0xCBC0]  }
0xdf: {  	v20 =	vld [tilespmem:s19+$0x67D0]  }
0xe0: {  	v21 =	vld [tilespmem:s19+$0xCBD0]  }
0xe1: {  	v22 =	vld [tilespmem:s19+$0x67E0]  }
0xe2: {  	v23 =	vld [tilespmem:s19+$0xCBE0]  }
0xe3: {  	v24 =	vld [tilespmem:s19+$0x67F0]  }
0xe4: {  	v25 =	vld [tilespmem:s19+$0xCBF0]  }
0xe5: {  	v26 =	vld [tilespmem:s19+$0x6800]  }
0xe6: {  	v27 =	vld [tilespmem:s19+$0xCC00]  }
0xe7: {  	v28 =	vld [tilespmem:s19+$0x6810]  }
0xe8: {  	v29 =	vld [tilespmem:s19+$0xCC10]  }
0xe9: {  	v30 =	vld [tilespmem:s19+$0x6820]  }
0xea: {  	v31 =	vld [tilespmem:s19+$0xCC20]  }
0xeb: {  	v32 =	vld [tilespmem:s19+$0x6830]  }
0xec: {  	v51 =	vld [tilespmem:s19+$0xCC60];
	v0 =	vadd.f32 v1, v0  }
0xed: {  	v52 =	vld [tilespmem:s19+$0x6870];
	v2 =	vadd.f32 v3, v2  }
0xee: {  	v53 =	vld [tilespmem:s19+$0xCC70];
	[tilespmem:s19+$0x6930] =	vst v0;
	v0 =	vadd.f32 v5, v4  }
0xef: {  	v54 =	vld [tilespmem:s19+$0x6880];
	[tilespmem:s19+$0x6740] =	vst v2;
	v2 =	vadd.f32 v7, v6  }
0xf0: {  	v55 =	vld [tilespmem:s19+$0xCC80];
	[tilespmem:s19+$0x6750] =	vst v0;
	v0 =	vadd.f32 v49, v48  }
0xf1: {  	v56 =	vld [tilespmem:s19+$0x6890];
	[tilespmem:s19+$0x6760] =	vst v2;
	v2 =	vadd.f32 v11, v50  }
0xf2: {  	v57 =	vld [tilespmem:s19+$0xCC90];
	[tilespmem:s19+$0x6770] =	vst v0;
	v0 =	vadd.f32 v13, v12  }
0xf3: {  	v58 =	vld [tilespmem:s19+$0x68A0];
	[tilespmem:s19+$0x6780] =	vst v2;
	v2 =	vadd.f32 v15, v14  }
0xf4: {  	v59 =	vld [tilespmem:s19+$0xCCA0];
	[tilespmem:s19+$0x6790] =	vst v0;
	v0 =	vadd.f32 v17, v16  }
0xf5: {  	v1 =	vld [tilespmem:s19+$0xCC30];
	[tilespmem:s19+$0x67A0] =	vst v2;
	v2 =	vadd.f32 v19, v18  }
0xf6: {  	v3 =	vld [tilespmem:s19+$0x6840];
	[tilespmem:s19+$0x67B0] =	vst v0;
	v0 =	vadd.f32 v21, v20  }
0xf7: {  	v4 =	vld [tilespmem:s19+$0xCC40];
	[tilespmem:s19+$0x67C0] =	vst v2;
	v2 =	vadd.f32 v23, v22  }
0xf8: {  	v5 =	vld [tilespmem:s19+$0x6850];
	[tilespmem:s19+$0x67D0] =	vst v0;
	v0 =	vadd.f32 v25, v24  }
0xf9: {  	v6 =	vld [tilespmem:s19+$0xCC50];
	[tilespmem:s19+$0x67E0] =	vst v2;
	v2 =	vadd.f32 v27, v26  }
0xfa: {  	v7 =	vld [tilespmem:s19+$0x6860];
	[tilespmem:s19+$0x67F0] =	vst v0;
	v0 =	vadd.f32 v29, v28  }
0xfb: {  	v60 =	vld [tilespmem:s19+$0x68B0];
	[tilespmem:s19+$0x6800] =	vst v2;
	v2 =	vadd.f32 v31, v30  }
0xfc: {  	v61 =	vld [tilespmem:s19+$0xCCE0];
	[tilespmem:s19+$0x6810] =	vst v0;
	v0 =	vadd.f32 v1, v32  }
0xfd: {  	v1 =	vld [tilespmem:s19+$0xCCB0];
	[tilespmem:s19+$0x6820] =	vst v2;
	v2 =	vadd.f32 v4, v3  }
0xfe: {  	v3 =	vld [tilespmem:s19+$0x68C0];
	[tilespmem:s19+$0x6830] =	vst v0;
	v0 =	vadd.f32 v6, v5  }
0xff: {  	v4 =	vld [tilespmem:s19+$0xCCC0];
	[tilespmem:s19+$0x6840] =	vst v2;
	v2 =	vadd.f32 v51, v7  }
0x100: {  	v5 =	vld [tilespmem:s19+$0x68D0];
	[tilespmem:s19+$0x6850] =	vst v0;
	v0 =	vadd.f32 v53, v52  }
0x101: {  	v6 =	vld [tilespmem:s19+$0xCCD0];
	[tilespmem:s19+$0x6860] =	vst v2;
	v2 =	vadd.f32 v55, v54  }
0x102: {  	v7 =	vld [tilespmem:s19+$0x68E0];
	v1 =	vadd.f32 v1, v60;
	[tilespmem:s19+$0x6870] =	vst v0  }
0x103: {  	v62 =	vld [tilespmem:s19+$0x68F0];
	v0 =	vadd.f32 v57, v56;
	[tilespmem:s19+$0x6880] =	vst v2  }
0x104: {  	v63 =	vld [tilespmem:s19+$0xCCF0];
	v2 =	vadd.f32 v59, v58;
	[tilespmem:s19+$0x68B0] =	vst v1  }
0x105: {  	v3 =	vadd.f32 v4, v3;
	[tilespmem:s19+$0x6890] =	vst v0;
	v0 =	vld [tilespmem:s19+$0x6900]  }
0x106: {  	v4 =	vadd.f32 v6, v5;
	[tilespmem:s19+$0x68A0] =	vst v2;
	v2 =	vld [tilespmem:s19+$0xCD00]  }
0x107: {  	[tilespmem:s19+$0x68C0] =	vst v3;
	v3 =	vadd.f32 v61, v7;
	v1 =	vld [tilespmem:s19+$0x6910]  }
0x108: {  	[tilespmem:s19+$0x68D0] =	vst v4;
	v4 =	vld [tilespmem:s19+$0xCD10]  }
0x109: {  	s20 =	simm.s32 $0x0;
	s6 =	simm.s32 $0x800;
	v5 =	vadd.f32 v63, v62;
	[tilespmem:s19+$0x68E0] =	vst v3;
	v3 =	vld [tilespmem:s19+$0x6920]  }
.LBB2_5:
0x10a: {  	s21 =	sshra.s32 s6, $0x2;
	v6 =	vld [tilespmem:s19+$0xCD20]  }
0x10b: {  	s20 =	sadd.s32 $0x8, s20;
	v7 =	vld [tilespmem:s21+$0x6930];
	[tilespmem:s19+$0x68F0] =	vst v5;
	v0 =	vadd.f32 v2, v0  }
0x10c: {  	p0 =	slt.u32 s20, $0x188;
	v2 =	vld [tilespmem:s21+$0xCD30]  }
0x10d: {  	v5 =	vld [tilespmem:s21+$0x6740];
	[tilespmem:s19+$0x6900] =	vst v0;
	v0 =	vadd.f32 v4, v1  }
0x10e: {  	v1 =	vld [tilespmem:s21+$0xCB40]  }
0x10f: {  	v4 =	vld [tilespmem:s21+$0x6750];
	[tilespmem:s19+$0x6910] =	vst v0;
	v0 =	vadd.f32 v6, v3  }
0x110: {  	v3 =	vld [tilespmem:s21+$0xCB50]  }
0x111: {  	v6 =	vld [tilespmem:s21+$0x6760];
	v2 =	vadd.f32 v2, v7;
	[tilespmem:s19+$0x6920] =	vst v0;
	s19 =	smov.u32 s21  }
0x112: {  	v0 =	vld [tilespmem:s19+$0xCB60]  }
0x113: {  	v1 =	vadd.f32 v1, v5;
	v5 =	vld [tilespmem:s19+$0x6770];
	[tilespmem:s19+$0x6930] =	vst v2  }
0x114: {  	v2 =	vld [tilespmem:s19+$0xCB70]  }
0x115: {  	[tilespmem:s19+$0x6740] =	vst v1;
	v1 =	vadd.f32 v3, v4;
	v3 =	vld [tilespmem:s19+$0x6780]  }
0x116: {  	v4 =	vld [tilespmem:s19+$0xCB80]  }
0x117: {  	[tilespmem:s19+$0x6750] =	vst v1;
	v0 =	vadd.f32 v0, v6;
	v1 =	vld [tilespmem:s19+$0x6790]  }
0x118: {  	v6 =	vld [tilespmem:s19+$0xCB90]  }
0x119: {  	[tilespmem:s19+$0x6760] =	vst v0;
	v0 =	vadd.f32 v2, v5;
	v2 =	vld [tilespmem:s19+$0x67A0]  }
0x11a: {  	v5 =	vld [tilespmem:s19+$0xCBA0]  }
0x11b: {  	[tilespmem:s19+$0x6770] =	vst v0;
	v0 =	vadd.f32 v4, v3;
	v3 =	vld [tilespmem:s19+$0x67B0]  }
0x11c: {  	v4 =	vld [tilespmem:s19+$0xCBB0]  }
0x11d: {  	[tilespmem:s19+$0x6780] =	vst v0;
	v0 =	vadd.f32 v6, v1;
	v1 =	vld [tilespmem:s19+$0x67C0]  }
0x11e: {  	v6 =	vld [tilespmem:s19+$0xCBC0]  }
0x11f: {  	[tilespmem:s19+$0x6790] =	vst v0;
	v0 =	vadd.f32 v5, v2;
	v2 =	vld [tilespmem:s19+$0x67D0]  }
0x120: {  	v5 =	vld [tilespmem:s19+$0xCBD0]  }
0x121: {  	[tilespmem:s19+$0x67A0] =	vst v0;
	v0 =	vadd.f32 v4, v3;
	v3 =	vld [tilespmem:s19+$0x67E0]  }
0x122: {  	v4 =	vld [tilespmem:s19+$0xCBE0]  }
0x123: {  	[tilespmem:s19+$0x67B0] =	vst v0;
	v0 =	vadd.f32 v6, v1;
	v1 =	vld [tilespmem:s19+$0x67F0]  }
0x124: {  	v6 =	vld [tilespmem:s19+$0xCBF0]  }
0x125: {  	[tilespmem:s19+$0x67C0] =	vst v0;
	v0 =	vadd.f32 v5, v2;
	v2 =	vld [tilespmem:s19+$0x6800]  }
0x126: {  	v5 =	vld [tilespmem:s19+$0xCC00]  }
0x127: {  	[tilespmem:s19+$0x67D0] =	vst v0;
	v0 =	vadd.f32 v4, v3;
	v3 =	vld [tilespmem:s19+$0x6810]  }
0x128: {  	v4 =	vld [tilespmem:s19+$0xCC10]  }
0x129: {  	[tilespmem:s19+$0x67E0] =	vst v0;
	v0 =	vadd.f32 v6, v1;
	v1 =	vld [tilespmem:s19+$0x6820]  }
0x12a: {  	v6 =	vld [tilespmem:s19+$0xCC20]  }
0x12b: {  	[tilespmem:s19+$0x67F0] =	vst v0;
	v0 =	vadd.f32 v5, v2;
	v2 =	vld [tilespmem:s19+$0x6830]  }
0x12c: {  	v5 =	vld [tilespmem:s19+$0xCC30]  }
0x12d: {  	[tilespmem:s19+$0x6800] =	vst v0;
	v0 =	vadd.f32 v4, v3;
	v3 =	vld [tilespmem:s19+$0x6840]  }
0x12e: {  	v4 =	vld [tilespmem:s19+$0xCC40]  }
0x12f: {  	[tilespmem:s19+$0x6810] =	vst v0;
	v0 =	vadd.f32 v6, v1;
	v1 =	vld [tilespmem:s19+$0x6850]  }
0x130: {  	v6 =	vld [tilespmem:s19+$0xCC50]  }
0x131: {  	[tilespmem:s19+$0x6820] =	vst v0;
	v0 =	vadd.f32 v5, v2;
	v2 =	vld [tilespmem:s19+$0x6860]  }
0x132: {  	v5 =	vld [tilespmem:s19+$0xCC60]  }
0x133: {  	[tilespmem:s19+$0x6830] =	vst v0;
	v0 =	vadd.f32 v4, v3;
	v3 =	vld [tilespmem:s19+$0x6870]  }
0x134: {  	v4 =	vld [tilespmem:s19+$0xCC70]  }
0x135: {  	[tilespmem:s19+$0x6840] =	vst v0;
	v0 =	vadd.f32 v6, v1;
	v1 =	vld [tilespmem:s19+$0x6880]  }
0x136: {  	v6 =	vld [tilespmem:s19+$0xCC80]  }
0x137: {  	[tilespmem:s19+$0x6850] =	vst v0;
	v0 =	vadd.f32 v5, v2;
	v2 =	vld [tilespmem:s19+$0x6890]  }
0x138: {  	v5 =	vld [tilespmem:s19+$0xCC90]  }
0x139: {  	[tilespmem:s19+$0x6860] =	vst v0;
	v0 =	vadd.f32 v4, v3;
	v3 =	vld [tilespmem:s19+$0x68A0]  }
0x13a: {  	v4 =	vld [tilespmem:s19+$0xCCA0]  }
0x13b: {  	[tilespmem:s19+$0x6870] =	vst v0;
	v0 =	vadd.f32 v6, v1;
	v1 =	vld [tilespmem:s19+$0x68B0]  }
0x13c: {  	v6 =	vld [tilespmem:s19+$0xCCB0]  }
0x13d: {  	[tilespmem:s19+$0x6880] =	vst v0;
	v0 =	vadd.f32 v5, v2;
	v2 =	vld [tilespmem:s19+$0x68C0]  }
0x13e: {  	v5 =	vld [tilespmem:s19+$0xCCC0]  }
0x13f: {  	[tilespmem:s19+$0x6890] =	vst v0;
	v0 =	vadd.f32 v4, v3;
	v3 =	vld [tilespmem:s19+$0x68D0]  }
0x140: {  	v4 =	vld [tilespmem:s19+$0xCCD0]  }
0x141: {  	[tilespmem:s19+$0x68A0] =	vst v0;
	v0 =	vadd.f32 v6, v1;
	v1 =	vld [tilespmem:s19+$0x68E0]  }
0x142: {  	v6 =	vld [tilespmem:s19+$0xCCE0]  }
0x143: {  	[tilespmem:s19+$0x68B0] =	vst v0;
	v0 =	vadd.f32 v5, v2;
	v5 =	vld [tilespmem:s19+$0x68F0]  }
0x144: {  	v7 =	vld [tilespmem:s19+$0xCCF0]  }
.Ltmp1:
0x145: {  	[tilespmem:s19+$0x68C0] =	vst v0;
	v3 =	vadd.f32 v4, v3;
	v0 =	vld [tilespmem:s19+$0x6900];
	(pc) =	sbr.rel @p0 .LBB2_5-.Ltmp1, $4  }
0x146: {  	v2 =	vld [tilespmem:s19+$0xCD00]  }
0x147: {  	[tilespmem:s19+$0x68D0] =	vst v3;
	v3 =	vadd.f32 v6, v1;
	v1 =	vld [tilespmem:s19+$0x6910]  }
0x148: {  	v4 =	vld [tilespmem:s19+$0xCD10]  }
0x149: {  	s6 =	sadd.s32 $0x800, s6;
	[tilespmem:s19+$0x68E0] =	vst v3;
	v5 =	vadd.f32 v7, v5;
	v3 =	vld [tilespmem:s19+$0x6920]  }
0x14a: {  	v6 =	vld [tilespmem:s19+$0xCD20];
	_ =	sdelay $0x1  }
0x14b: {  	s6 =	smul.u32 $0x190, s18;
	s17 =	sadd.s32 $0x1, s17  }
0x14c: {  	v0 =	vadd.f32 v2, v0;
	p0 =	sne.s32 s17, $0x20  }
.Ltmp2:
0x14d: {  	[tilespmem:s19+$0x68F0] =	vst v5;
	s6 =	sadd.s32 s8, s6;
	v1 =	vadd.f32 v4, v1;
	(pc) =	sbr.rel @p0 .LBB2_2-.Ltmp2, $4  }
0x14e: {  	[tilespmem:s19+$0x6900] =	vst v0;
	s6 =	sshll.u32 s6, $0x3;
	v63 =	vadd.f32 v6, v3  }
0x14f: {  	s6 =	sand.u32 $0x1FFFFF80, s6;
	[tilespmem:s19+$0x6910] =	vst v1  }
0x150: {  	s6 =	sadd.s32 s1, s6;
	[tilespmem:s19+$0x6920] =	vst v63  }
0x151: {  	[hbm4b:s6+s3] =	stream.linear.scatter [tilespmem:s24], [sflag:$0x4], $0x6400, $0x38;
	[tilespmem:$0x12F40] =	vst v63  }
0x152: {  	s16 =	sadd.s32 $0x1, s16  }
0x153: {  	_ =	swait.ge [sflag:s2], $0x6400;
	p0 =	sne.s32 s16, s11  }
.Ltmp3:
0x154: {  	[sflag:s2] =	ssyncset.done $0x0;
	(pc) =	sbr.rel @p0 .LBB2_1-.Ltmp3, $4  }
0x155: {  	[sflag:s2] =	ssyncadd.s32 $0xFFFF9C00  }
0x156: {  	_ =	swait.ge [sflag:s12], $0x6400  }
0x157: {  	[sflag:s12] =	ssyncset.done $0x0  }
0x158: {  	[sflag:s12] =	ssyncadd.s32 $0xFFFF9C00  }
0x159: {  	_ =	sfence.sel $0x180000  }
0x15a: {  	[bflag:$0x0] =	sbarrier.arrive $0xFFFF  }
0x15b: {  	_ =	strace $0x90000047  }
0x15c: {  	s0 =	stileid.u32;
	[bflag:$0x2] =	sbarrier.arrive $0xFFFF  }
0x15d: {  	p0 =	sne.s32 s0, $0x0;
	s0 =	rddreg [dreg:$0x2]  }
0x15e: {  	s0 =	sadd.s32 @!p0 $0x100000, s0  }
0x15f: {  	[sflag:s0] =	ssyncadd.tile.s32 @!p0 $0x1;
	_ =	shalt  }
.Lfunc_end2:
_tile_overlayer_lowered:
.L_overlay_start_2:
0x160: {  	(tag) =	ssettag $0x2  }
0x161: {  	s0 =	rddreg [dreg:$0x0];
	s2 =	stileid.u32  }
0x162: {  	s1 =	rddreg [dreg:$0x1];
	p0 =	sne.s32 s2, $0x0  }
0x163: {  	s3 =	rddreg [dreg:$0x2];
	[bflag:$0x3] =	sbarrier.arrive $0xFFFF;
	s2 =	simm.s32 @!p0 $0x1C05  }
0x164: {  	[timem:s3], [sflag:s2] =	dma.local @!p0 [hbm:s0], s1  }
0x165: {  	s0 =	simm.s32 @!p0 $0x5  }
0x166: {  	_ =	swait.ge @!p0 [sflag:s0], s1  }
0x167: {  	s1 =	ssub.s32 @!p0 $0x0, s1;
	[sflag:s0] =	ssyncset.done @!p0 $0x0  }
0x168: {  	[sflag:s0] =	ssyncadd.s32 @!p0 s1  }
0x169: {  	[bflag:$0x3] =	sbarrier.arrive $0xFFFF  }
0x16a: {  	_ =	shalt  }

// kernel: sparse-core-data-format-call.cloned.1.call-start
scs
called_computation_lowered:
.L_overlay_start_0:
0x0: {  	s2 =	sld [smem:$0x3FD9]  }
0x1: {  	s3 =	sld [smem:$0x3FFE];
	_ =	sdelay $0x1  }
0x2: {  	s1 =	srdreg.scid  }
0x3: {  	s0 =	sand.u32 $0x1, s1  }
0x4: {  	s18 =	sshll.u32 s0, $0xA;
	s2 =	sadd.s32 s3, s2  }
0x5: {  	s2 =	sadd.s32 s2, s18  }
0x6: {  	[smem:$0x3FC6] =	sst s2  }
0x7: {  	_ = 	snop  }
0x8: {  	s2 =	sld [smem:$0x3FD0];
	(tm) =	ssettm $0x1  }
0x9: {  	s19 =	sld [smem:$0x3FFB];
	_ =	sdelay $0x3  }
0xa: {  	_ =	strace s19  }
0xb: {  	s3 =	sld [smem:$0x3FFC];
	_ =	sdelay $0x3  }
0xc: {  	_ =	strace s3  }
0xd: {  	s3 =	sld [smem:$0x3FFD];
	_ =	sdelay $0x3  }
0xe: {  	_ =	strace s3  }
0xf: {  	_ =	strace $0x8FFFFFFF  }
0x10: {  	s20 =	sld [smem:$0x3FDB];
	_ =	sdelay $0x1  }
0x11: {  	s4 =	simm.s32 $_scs_section_size  }
0x12: {  	s5 =	simm.s32 $_size__tile_overlayer_lowered;
	s6 =	simm.s32 $_tile_overlayer_lowered  }
0x13: {  	s23 =	simm.s32 $0x1BFF;
	s22 =	sshll.u32 s6, $0x1;
	s3 =	sadd.s32 s4, s20  }
0x14: {  	s7 =	simm.s32 $0x0;
	s21 =	sshll.u32 s5, $0x1;
	s5 =	sadd.s32 s22, s3  }
0x15: {  	[timem:s7], [sflag:s23] =	dma.local [hbm:s5], s21  }
0x16: {  	_ =	swait.ge [sflag:s23], s21  }
0x17: {  	s4 =	ssub.s32 $0x0, s21;
	[sflag:s23] =	ssyncset.done $0x0  }
0x18: {  	[sflag:s23] =	ssyncadd.s32 s4;
	_ =	sdelay $0x1  }
0x19: {  	s24 =	simm.s32 $0x1B8B  }
0x1a: {  	_ =	swait.ge [sflag:s24], $0x1  }
0x1b: {  	[sflag:s24] =	ssyncset.done $0x0  }
0x1c: {  	s26 =	simm.s32 $0x1B8E;
	s25 =	sld [smem:$0x3FFE];
	[sflag:s24] =	ssyncadd.s32 $0xFFFFFFFF  }
0x1d: {  	s27 =	simm.s32 $execute0_lowered;
	[smem:$0x3FD2] =	sst s26  }
0x1e: {  	s5 =	sshll.u32 s27, $0x1;
	_ =	strace $0x80000049;
	[dreg:$0x1] =	wrdreg $0xFFFFFFFF  }
0x1f: {  	s28 =	simm.s32 $_size_execute0_lowered;
	s3 =	sadd.s32 s3, s5;
	[dreg:$0x0] =	wrdreg $0x0  }
0x20: {  	s5 =	sshll.u32 s28, $0x1;
	[dreg:$0x2] =	wrdreg s3  }
0x21: {  	[dreg:$0x3] =	wrdreg s5  }
0x22: {  	[dreg:$0x4] =	wrdreg $0xC0  }
0x23: {  	_ =	task [dreg:s7], $0x5FFFF  }
0x24: {  	[dreg:$0x1] =	wrdreg $0xFFFFFFFF  }
0x25: {  	[dreg:$0x0] =	wrdreg $0x60  }
0x26: {  	[dreg:$0x2] =	wrdreg s25  }
0x27: {  	[dreg:$0x3] =	wrdreg s2  }
0x28: {  	[dreg:$0x4] =	wrdreg $0x9  }
0x29: {  	_ =	task.clear_ibuf [dreg:s7], $0x5FFFF;
	_ =	strace $0x90000049  }
0x2a: {  	s29 =	simm.s32 $0x9;
	_ =	strace $0x8000004B  }
0x2b: {  	_ =	swait.ge [sflag:s29], $0x1  }
0x2c: {  	[sflag:s29] =	ssyncadd.s32 $0xFFFFFFFF  }
0x2d: {  	_ =	strace $0x9000004B  }
0x2e: {  	_ =	sfence  }
0x2f: {  	s30 =	sld [smem:$0x0];
	_ =	sdelay $0x2  }
0x30: {  	s31 =	sshll.u32 s1, $0xD;
	s1 =	sshrl.u32 s1, $0x2  }
0x31: {  	s3 =	sand.u32 $0x4000, s31;
	s1 =	sadd.s32 s1, s30  }
0x32: {  	s0 =	sor.u32 s3, s0;
	s1 =	sshll.u32 s1, $0x11  }
0x33: {  	s0 =	sor.u32 s1, s0  }
0x34: {  	s0 =	sadd.s32 $0x8F2B, s0  }
0x35: {  	[sflag:s0] =	ssyncadd.remote.s32 $0x1  }
0x36: {  	_ =	sfence.sel $0xFFFF  }
0x37: {  	[dreg:$0x0] =	wrdreg $0xFFFFFFFF;
	(pc) =	sbr.abs _section_cstart, $3  }
0x38: {  	[dreg:$0x1] =	wrdreg $0xFFFFFFFF  }
0x39: {  	_ =	task.clear_ibuf [dreg:s7], $0x2FFFF;
	_ =	strace $0x9FFFFFFF  }
0x3a: {  	(tm) =	ssettm $0x7FFFFFFF  }
0x3b: {  	_ =	shalt  }
tec
execute0_lowered:
.L_overlay_start_1:
0x0: {  	(tag) =	ssettag $0x1  }
0x1: {  	s0 =	srdreg.scid  }
0x2: {  	s1 =	sshll.u32 s0, $0x4  }
0x3: {  	s0 =	stileid.u32;
	s1 =	sand.u32 $0x10, s1  }
0x4: {  	s1 =	sor.u32 s0, s1  }
0x5: {  	s6 =	rddreg [dreg:$0x0];
	s4 =	simm.s32 $0x1;
	s2 =	sshll.u32 s1, $0x7  }
0x6: {  	s7 =	simm.s32 $0x2;
	s12 =	simm.s32 $0x0;
	s1 =	ssub.s32 $0x1000, s2  }
0x7: {  	s8 =	simm.s32 $0x8000;
	s13 =	simm.s32 $0x0;
	s3 =	sand.u32 $0xF80, s1  }
0x8: {  	s9 =	simm.s32 $0x0;
	s5 =	sshrl.u32 s1, $0xC;
	p0 =	sne.s32 s3, $0x0  }
.Ltmp0:
0x9: {  	s1 =	rddreg [dreg:$0x2];
	s4 =	simm.s32 @!p0 $0x0;
	(pc) =	sbr.rel .LBB1_1-.Ltmp0, $4  }
0xa: {  	s11 =	simm.s32 $0x0;
	s3 =	rddreg [dreg:$0x1];
	s5 =	sadd.s32 s4, s5  }
0xb: {  	_ =	strace $0x8000004A;
	s4 =	simm.s32 $0x1;
	s5 =	smul.u32 $0xC8, s5  }
0xc: {  	s6 =	sadd.s32 $0x400, s6;
	s10 =	smov.u32 s2;
	[sflag:s4] =	ssyncpa.u1 $0x0  }
0xd: {  	p0 =	por $0x0, $0x0;
	[sflag:s7] =	ssyncpa.u1 $0x0;
	s7 =	sor.u32 $0x1, s5  }
.LBB1_4:
0xe: {  	s16 =	sshll.u32 s13, $0x3;
	s17 =	sand.u32 $0x78, s13  }
0xf: {  	s30 =	sand.u32 $0x7E00, s13;
	s12 =	sshll.u32 s12, $0xF;
	s16 =	sand.u32 $0xC00, s16  }
0x10: {  	[tilespmem:s15+$0x810 ss:$0x81] =	vst.msk $0xffff, v2;
	s31 =	sand.u32 $0x7, s13;
	s16 =	sor.u32 s17, s16;
	s17 =	sadd.s32 s3, s30  }
0x11: {  	[tilespmem:s15+$0x1020 ss:$0x81] =	vst.msk $0xffff, v0;
	s13 =	sshll.u32 s31, $0x12;
	s12 =	sadd.s32 s12, s17;
	s16 =	sshrl.u32 s16, $0x3  }
0x12: {  	[tilespmem:s15+$0x0 ss:$0x81] =	vst.msk $0xffff, v1;
	s13 =	sor.u32 $0x400, s13;
	s12 =	sadd.s32 s16, s12  }
0x13: {  	[hbm4b:s12+s13] =	stream.strided.scatter [tilespmem:s14], [sflag:$0x2], $0x2000, s8, s13, $0x20;
	[tilespmem:$0x8080] =	vst v63  }
.LBB1_5:
0x14: {  	s14 =	sadd.s32 $0x1, s9  }
0x15: {  	s12 =	sadd.s32 $0x1000, s10;
	s16 =	smov.u32 s10;
	p2 =	sgt.s32 s14, $0xC7  }
0x16: {  	s16 =	smov.u32 @p2 s12  }
0x17: {  	s14 =	simm.s32 @p2 $0x0;
	p2 =	sgt.s32 s16, $0xFFF  }
0x18: {  	s16 =	smov.u32 @p2 s2;
	p2 =	sne.s32 s11, s7  }
.Ltmp1:
0x19: {  	p1 =	slt.u32 s11, $0x2;
	(pc) =	sbr.rel @!p2 .LBB1_6-.Ltmp1, $4  }
0x1a: {  	s15 =	simm.s32 @!p1 $0x2  }
0x1b: {  	s13 =	smov.u32 s10;
	p0 =	por !p0, !p0;
	_ =	swait.ge @!p1 [sflag:s15], $0x2000  }
0x1c: {  	s12 =	smov.u32 s9;
	[sflag:s15] =	ssyncset.done @!p1 $0x0;
	s9 =	smov.u32 s14  }
0x1d: {  	s11 =	sadd.s32 $0x1, s11;
	[sflag:s15] =	ssyncadd.s32 @!p1 $0xFFFFE000;
	s10 =	smov.u32 s16  }
.LBB1_1:
0x1e: {  	p1 =	sge.u32 s11, s5  }
0x1f: {  	s14 =	sand.u32 @!p1 $0x1FFFFFF, s9  }
0x20: {  	s15 =	smulhi.u32 @!p1 $0x147AE15, s14;
	_ =	sdelay $0x1  }
0x21: {  	s15 =	smul.u32 @!p1 $0xC8, s15  }
0x22: {  	s16 =	sxor.u32 @!p1 $0xFFFFFFFF, s11;
	s17 =	smul.u32 @!p1 $0xC80, s10  }
0x23: {  	s31 =	sadd.s32 $0xFFFFFFFF, s11;
	s16 =	sshll.u32 @!p1 s16, $0xD;
	s14 =	ssub.s32 @!p1 s14, s15  }
0x24: {  	s15 =	sand.u32 @!p1 $0x2000, s16;
	s16 =	sadd.s32 @!p1 s6, s17;
	s14 =	sshll.u32 @!p1 s14, $0x4  }
0x25: {  	s17 =	simm.s32 @!p1 $0x6400;
	s14 =	sadd.s32 @!p1 s14, s16;
	s16 =	simm.s32 @!p1 $0x40  }
0x26: {  	[tilespmem:s15], [sflag:$0x1] =	stream.strided.gather @!p1 [hbm4b:s14+s16], $0x2000, s17, s16, $0x38;
	[tilespmem:$0x8080] =	vst v63  }
0x27: {  	p1 =	sge.u32 s31, s5  }
.Ltmp2:
0x28: {  	_ = 	snop;
	(pc) =	sbr.rel @p1 .LBB1_5-.Ltmp2, $1  }
0x29: {  	_ =	sdelay $0x3  }
0x2a: {  	s14 =	simm.s32 $0x1  }
0x2b: {  	_ =	swait.ge [sflag:s4], $0x2000;
	s14 =	simm.s32 @!p0 $0x0  }
0x2c: {  	[sflag:s4] =	ssyncset.done $0x0;
	s15 =	sshll.u32 s14, $0xD  }
0x2d: {  	[sflag:s4] =	ssyncadd.s32 $0xFFFFE000;
	s18 =	sor.u32 $0x20, s15  }
0x2e: {  	s14 =	smul.u32 $0x8100, s14;
	v3 =	vld [tilespmem:s18+$0x10]  }
0x2f: {  	s30 =	sand.u32 $0x1, s11;
	v2 =	vld [tilespmem:s18+$0xFFFFFFF0]  }
0x30: {  	s15 =	smul.u32 $0x8100, s30;
	s14 =	sshrl.u32 s14, $0x2;
	v0 =	vld [tilespmem:s18+$0x0]  }
0x31: {  	v1 =	vld [tilespmem:s18+$0xFFFFFFE0];
	s16 =	sor.u32 $0x4000, s14  }
0x32: {  	s31 =	sshrl.u32 s15, $0x2;
	s15 =	sadd.s32 $0x0, s16  }
0x33: {  	s17 =	simm.s32 $0x4;
	s18 =	sadd.s32 $0x40, s18;
	s14 =	sor.u32 $0x4000, s31;
	[tilespmem:s15+$0x1830 ss:$0x81] =	vst.msk $0xffff, v3  }
.LBB1_3:
0x34: {  	v3 =	vld [tilespmem:s18+$0x10];
	p1 =	sne.s32 s17, $0x1FC;
	[tilespmem:s15+$0x810 ss:$0x81] =	vst.msk $0xffff, v2;
	s19 =	smov.u32 s17;
	s17 =	sadd.s32 $0x4, s17  }
.Ltmp3:
0x35: {  	v2 =	vld [tilespmem:s18+$0xFFFFFFF0];
	[tilespmem:s15+$0x1020 ss:$0x81] =	vst.msk $0xffff, v0;
	(pc) =	sbr.rel @p1 .LBB1_3-.Ltmp3, $4  }
0x36: {  	v0 =	vld [tilespmem:s18+$0x0];
	[tilespmem:s15+$0x0 ss:$0x81] =	vst.msk $0xffff, v1  }
0x37: {  	s15 =	sshra.s32 s19, $0x2;
	v1 =	vld [tilespmem:s18+$0xFFFFFFE0]  }
0x38: {  	s15 =	sadd.s32 s15, s16  }
0x39: {  	s18 =	sadd.s32 $0x40, s18;
	[tilespmem:s15+$0x1830 ss:$0x81] =	vst.msk $0xffff, v3  }
.Ltmp4:
0x3a: {  	_ = 	snop;
	(pc) =	sbr.rel .LBB1_4-.Ltmp4, $1  }
0x3b: {  	_ =	sdelay $0x3  }
.LBB1_6:
0x3c: {  	_ =	sfence.sel $0x180000  }
0x3d: {  	s2 =	simm.s32 $0x1;
	[bflag:$0x0] =	sbarrier.arrive $0xFFFF  }
0x3e: {  	s31 =	simm.s32 $0x2;
	[sflag:s2] =	ssyncpa.u1 $0x1  }
0x3f: {  	[sflag:s31] =	ssyncpa.u1 $0x1  }
0x40: {  	p0 =	sne.s32 s0, $0x0;
	_ =	strace $0x9000004A  }
0x41: {  	s0 =	sadd.s32 @!p0 $0x100000, s1;
	[bflag:$0x2] =	sbarrier.arrive $0xFFFF  }
0x42: {  	[sflag:s0] =	ssyncadd.tile.s32 @!p0 $0x1;
	_ =	shalt  }
.Lfunc_end1:
_tile_overlayer_lowered:
.L_overlay_start_2:
0x43: {  	(tag) =	ssettag $0x2  }
0x44: {  	s0 =	rddreg [dreg:$0x0];
	s2 =	stileid.u32  }
0x45: {  	s1 =	rddreg [dreg:$0x1];
	p0 =	sne.s32 s2, $0x0  }
0x46: {  	s3 =	rddreg [dreg:$0x2];
	[bflag:$0x3] =	sbarrier.arrive $0xFFFF;
	s2 =	simm.s32 @!p0 $0x1C01  }
0x47: {  	[timem:s3], [sflag:s2] =	dma.local @!p0 [hbm:s0], s1  }
0x48: {  	s0 =	simm.s32 @!p0 $0x1  }
0x49: {  	_ =	swait.ge @!p0 [sflag:s0], s1  }
0x4a: {  	s1 =	ssub.s32 @!p0 $0x0, s1;
	[sflag:s0] =	ssyncset.done @!p0 $0x0  }
0x4b: {  	[sflag:s0] =	ssyncadd.s32 @!p0 s1  }
0x4c: {  	[bflag:$0x3] =	sbarrier.arrive $0xFFFF  }
0x4d: {  	_ =	shalt  }

</sc_bundles>
